<compile_context>
chip_gen: v7x
topology: tpu7x:2x2x1
jax: 0.10.2.dev20260603
libtpu: 0.0.44.dev20260713+nightly
codegen_flags: <defaults>
</compile_context>

<pallas_src>
import functools

import jax
import jax.numpy as jnp
from jax import lax
from jax.experimental import pallas as pl
from jax.experimental.pallas import tpu as pltpu
from jax.experimental.pallas import tpu_sc as plsc

B, T = 16, 1024
D = 256
K = 8192
N = B * T
DECAY = 0.99
OMD = 1.0 - DECAY
EPS = 1e-05
KEPS = K * EPS

NT_A = 1024
KT_A = 1408
KPAD = 6 * KT_A


def _argmin_body(z2_ref, c2_ref, z_ref, e_ref, idx_ref,
                 iv_ref, ii_ref, ov_ref, oi_ref):
    j = pl.program_id(1)
    mm = jax.lax.dot_general(
        z_ref[...], e_ref[...], (((1,), (0,)), ((), ())),
        preferred_element_type=jnp.float32)
    dist = (z2_ref[...] - 2.0 * mm) + c2_ref[...]
    lv = jnp.min(dist, axis=1, keepdims=True)
    iota = jax.lax.broadcasted_iota(jnp.int32, (NT_A, KT_A), 1)
    cand = jnp.where(dist == lv, iota, jnp.int32(2 ** 30))
    li = jnp.min(cand, axis=1, keepdims=True) + j * KT_A

    @pl.when(j % 2 == 0)
    def _():
        iv_ref[...] = lv
        ii_ref[...] = li

    @pl.when(j % 2 == 1)
    def _():
        upd = lv < iv_ref[...]
        iv = jnp.where(upd, lv, iv_ref[...])
        ii = jnp.where(upd, li, ii_ref[...])
        inf = jnp.full((NT_A, 1), jnp.inf, jnp.float32)
        prev_ov = jnp.where(j == 1, inf, ov_ref[...])
        prev_oi = jnp.where(j == 1, jnp.zeros((NT_A, 1), jnp.int32),
                            oi_ref[...])
        upd2 = iv < prev_ov
        ivr = iv.astype(jnp.bfloat16).astype(jnp.float32)
        ov_ref[...] = jnp.where(upd2, ivr, prev_ov)
        oi_ref[...] = jnp.where(upd2, ii, prev_oi)

    @pl.when(j == 5)
    def _():
        idx_ref[...] = oi_ref[...]


def _argmin_call(z_flat, z2, c2_pad, emb_pad):
    return pl.pallas_call(
        _argmin_body,
        grid=(N // NT_A, KPAD // KT_A),
        in_specs=[
            pl.BlockSpec((NT_A, 1), lambda i, j: (i, 0)),
            pl.BlockSpec((1, KT_A), lambda i, j: (0, j)),
            pl.BlockSpec((NT_A, D), lambda i, j: (i, 0)),
            pl.BlockSpec((D, KT_A), lambda i, j: (0, j)),
        ],
        out_specs=pl.BlockSpec((NT_A, 1), lambda i, j: (i, 0)),
        out_shape=jax.ShapeDtypeStruct((N, 1), jnp.int32),
        scratch_shapes=[
            pltpu.VMEM((NT_A, 1), jnp.float32),
            pltpu.VMEM((NT_A, 1), jnp.int32),
            pltpu.VMEM((NT_A, 1), jnp.float32),
            pltpu.VMEM((NT_A, 1), jnp.int32),
        ],
        compiler_params=pltpu.CompilerParams(
            dimension_semantics=("arbitrary", "arbitrary")),
    )(z2, c2_pad, z_flat, emb_pad)


NT_B = 1024
KC_B = 1024


def _scatter_body(idx_ref, z_ref, sums_ref, counts_ref):
    n = pl.program_id(0)

    @pl.when(n == 0)
    def _():
        sums_ref[...] = jnp.zeros_like(sums_ref)
        counts_ref[...] = jnp.zeros_like(counts_ref)

    idx = idx_ref[...]
    zb = z_ref[...]
    for kc in range(K // KC_B):
        i0 = kc * KC_B
        iota = jax.lax.broadcasted_iota(jnp.int32, (NT_B, KC_B), 1) + i0
        oh = (idx == iota).astype(jnp.float32)
        ps = jax.lax.dot_general(
            oh, zb, (((0,), (0,)), ((), ())),
            preferred_element_type=jnp.float32)
        sums_ref[pl.ds(i0, KC_B), :] += ps
        counts_ref[0, pl.ds(i0, KC_B)] += jnp.sum(oh, axis=0)


def _scatter_call(idx, z_flat):
    return pl.pallas_call(
        _scatter_body,
        grid=(N // NT_B,),
        in_specs=[
            pl.BlockSpec((NT_B, 1), lambda n: (n, 0)),
            pl.BlockSpec((NT_B, D), lambda n: (n, 0)),
        ],
        out_specs=[
            pl.BlockSpec((K, D), lambda n: (0, 0)),
            pl.BlockSpec((1, K), lambda n: (0, 0)),
        ],
        out_shape=[
            jax.ShapeDtypeStruct((K, D), jnp.float32),
            jax.ShapeDtypeStruct((1, K), jnp.float32),
        ],
        compiler_params=pltpu.CompilerParams(
            dimension_semantics=("arbitrary",)),
    )(idx, z_flat)


KT_C = 512


def _norm_body(cs_ref, cnt_ref, em_ref, sums_ref, ne_ref):
    k = pl.program_id(0)
    ncs_full = cs_ref[...] * DECAY + cnt_ref[...] * OMD
    n = jnp.sum(ncs_full)
    ncs = (cs_ref[:, pl.ds(k * KT_C, KT_C)] * DECAY
           + cnt_ref[:, pl.ds(k * KT_C, KT_C)] * OMD)
    cs = (ncs + EPS) / (n + KEPS) * n
    em_t = jnp.swapaxes(em_ref[...], 0, 1)
    cs_col = jnp.swapaxes(cs, 0, 1)
    ne_ref[...] = (em_t * DECAY + sums_ref[...] * OMD) / cs_col


def _norm_call(cluster_row, counts_row, emb_mean, sums):
    return pl.pallas_call(
        _norm_body,
        grid=(K // KT_C,),
        in_specs=[
            pl.BlockSpec((1, K), lambda k: (0, 0)),
            pl.BlockSpec((1, K), lambda k: (0, 0)),
            pl.BlockSpec((D, KT_C), lambda k: (0, k)),
            pl.BlockSpec((KT_C, D), lambda k: (k, 0)),
        ],
        out_specs=pl.BlockSpec((KT_C, D), lambda k: (k, 0)),
        out_shape=jax.ShapeDtypeStruct((K, D), jnp.float32),
        compiler_params=pltpu.CompilerParams(
            dimension_semantics=("arbitrary",)),
    )(cluster_row, counts_row, emb_mean, sums)


SC_NC, SC_NS = 2, 16
SC_NW = SC_NC * SC_NS
SC_BPW = N // SC_NW
SC_CH = 256


@functools.partial(
    pl.kernel,
    mesh=plsc.VectorSubcoreMesh(core_axis_name="c", subcore_axis_name="s"),
    out_type=jax.ShapeDtypeStruct((N, D), jnp.float32),
    scratch_types=[
        pltpu.VMEM((SC_CH,), jnp.int32),
        pltpu.VMEM((SC_CH, D), jnp.float32),
        pltpu.SemaphoreType.DMA,
    ],
)
def _sc_gather(ne_hbm, idx_hbm, out_hbm, idx_v, rows_v, sem):
    wid = lax.axis_index("s") * SC_NC + lax.axis_index("c")
    for ch in range(SC_BPW // SC_CH):
        base = wid * SC_BPW + ch * SC_CH
        pltpu.sync_copy(idx_hbm.at[pl.ds(base, SC_CH)], idx_v)
        pltpu.async_copy(ne_hbm.at[idx_v], rows_v, sem).wait()
        pltpu.sync_copy(rows_v, out_hbm.at[pl.ds(base, SC_CH)])


def _gather_call(idx, ne):
    return _sc_gather(ne, idx.reshape(N))




def _st_body(z_ref, zq_ref, st_ref, loss_ref):
    d = zq_ref[...] - z_ref[...]
    st_ref[...] = z_ref[...] + d
    loss_ref[...] = (jnp.zeros((1, 1, 1), jnp.float32)
                     + jnp.sum(d * d) / (T * D))


def _st_call(z_flat, zq):
    return pl.pallas_call(
        _st_body,
        grid=(B,),
        in_specs=[
            pl.BlockSpec((T, D), lambda b: (b, 0)),
            pl.BlockSpec((T, D), lambda b: (b, 0)),
        ],
        out_specs=[
            pl.BlockSpec((T, D), lambda b: (b, 0)),
            pl.BlockSpec((1, 1, 1), lambda b: (b, 0, 0)),
        ],
        out_shape=[
            jax.ShapeDtypeStruct((N, D), jnp.float32),
            jax.ShapeDtypeStruct((B, 1, 1), jnp.float32),
        ],
        compiler_params=pltpu.CompilerParams(
            dimension_semantics=("arbitrary",)),
    )(z_flat, zq)


def kernel(z, embedding, cluster_size, embedding_mean):
    z_flat = z.reshape(N, D)
    z2 = (z_flat ** 2).sum(1, keepdims=True)
    codebook = embedding.T
    c2 = (codebook ** 2).sum(1, keepdims=True).T
    emb_pad = jnp.pad(embedding, ((0, 0), (0, KPAD - K)))
    c2_pad = jnp.pad(c2, ((0, 0), (0, KPAD - K)), constant_values=1e30)

    idx = _argmin_call(z_flat, z2, c2_pad, emb_pad)
    sums, counts = _scatter_call(idx, z_flat)
    ne = _norm_call(cluster_size.reshape(1, K), counts,
                    embedding_mean, sums)
    zq = _gather_call(idx, ne)
    st, loss = _st_call(z_flat, zq)

    z_q_st = st.reshape(B, T, D)
    commitment_loss = loss.reshape(B)
    codebook_loss = jnp.zeros((B,), dtype=z.dtype)
    indices = idx.reshape(B, T)
    return (z_q_st, commitment_loss, codebook_loss, indices)

# --- scband reference (transcript-rebuilt; emitter-appended) ---
"""Pipeline reference for scband-codebook-ema-40072044871898 (READ-ONLY COPY).

The authoritative reference and input builder live on the scoring server;
editing this copy changes nothing except your own understanding.
"""

import jax, jax.numpy as jnp
import numpy as np

B, T = 16, 1024
EMBEDDING_SIZE = 256
NUM_EMBEDDING = 8192
DECAY = 0.99
EPS = 1e-05


def setup_inputs(seed: int = 0) -> dict:
    key = jax.random.key(seed)
    k1, k2 = jax.random.split(key)
    z = jax.random.normal(k1, (B, T, EMBEDDING_SIZE), dtype=jnp.float32)
    embedding = jax.random.normal(k2, (EMBEDDING_SIZE, NUM_EMBEDDING), dtype=jnp.float32)
    cluster_size = jnp.zeros((NUM_EMBEDDING,), dtype=jnp.float32)
    embedding_mean = embedding.copy()
    return {"z": z, "embedding": embedding, "cluster_size": cluster_size, "embedding_mean": embedding_mean}


def reference(z, embedding, cluster_size, embedding_mean):
    b, t, d = z.shape
    z_flat = z.reshape(b * t, d)
    codebook = embedding.T  # [K, d]
    dist = (z_flat ** 2).sum(1, keepdims=True) - 2.0 * (z_flat @ codebook.T) + (codebook ** 2).sum(1, keepdims=True).T
    indices_flat = jnp.argmin(dist, axis=1)
    indices = indices_flat.reshape(b, t)
    # EMA codebook training step (torch.no_grad semantics -> stop_gradient)
    onehot = jax.nn.one_hot(indices_flat, NUM_EMBEDDING, dtype=z_flat.dtype)
    new_cluster_size = cluster_size * DECAY + onehot.sum(0) * (1.0 - DECAY)
    embedding_sum = z_flat.T @ onehot  # [d, K]
    new_embedding_mean = embedding_mean * DECAY + embedding_sum * (1.0 - DECAY)
    n = new_cluster_size.sum()
    cs = (new_cluster_size + EPS) / (n + NUM_EMBEDDING * EPS) * n
    new_embedding = jax.lax.stop_gradient(new_embedding_mean / cs[None, :])  # [d, K]
    # dequantize with updated codebook (matches torch call order in quantize_to_code)
    z_q = jnp.take(new_embedding.T, indices_flat, axis=0).reshape(b, t, d)
    commitment_loss = ((jax.lax.stop_gradient(z_q) - z) ** 2).mean(axis=(1, 2))
    codebook_loss = jnp.zeros((b,), dtype=z.dtype)
    # straight-through estimator (training mode)
    z_q_st = z + jax.lax.stop_gradient(z_q - z)
    return (z_q_st, commitment_loss, codebook_loss, indices)

if __name__ == "__main__":
    import jax
    _d = setup_inputs()
    print(jax.jit(kernel)(*tuple(_d.values())))

</pallas_src>

<mosaic_0001>
#map = affine_map<(d0, d1) -> (0, 0)>
#map1 = affine_map<(d0, d1) -> (0)>
module attributes {stable_mosaic.version = 14 : i64} {
  func.func @_sc_gather(%arg0: i32, %arg1: i32, %arg2: memref<8192x256xf32, #tpu.memory_space<hbm>>, %arg3: memref<16384xi32, #tpu.memory_space<hbm>>, %arg4: memref<16384x256xf32, #tpu.memory_space<hbm>>, %arg5: memref<256xi32, #tpu.memory_space<vmem>>, %arg6: memref<256x256xf32, #tpu.memory_space<vmem>>, %arg7: memref<!tpu.dma_semaphore, #tpu.memory_space<semaphore_mem>>) attributes {dimension_semantics = [#tpu.dimension_semantics<core_parallel>, #tpu.dimension_semantics<subcore_parallel>], iteration_bounds = array<i64: 2, 16>, scalar_prefetch = 0 : i64, scratch_operands = 3 : i64, tpu.core_type = #tpu.core_type<sc_vector_subcore>, window_params = [{transform_indices = #map}, {transform_indices = #map1}, {transform_indices = #map}]} {
    %mul3A = arith.constant 2 : i32
    %mul3A_0 = arith.muli %arg1, %mul3A : i32
    %add3A = arith.addi %mul3A_0, %arg0 : i32
    %mul3A_1 = arith.constant 512 : i32
    %mul3A_2 = arith.muli %add3A, %mul3A_1 : i32
    %add3A_3 = arith.constant 0 : i32
    %add3A_4 = arith.addi %mul3A_2, %add3A_3 : i32
    "tpu.region"() ({
      %run_scoped3A = tpu.sem_alloc : memref<!tpu.dma_semaphore, #tpu.memory_space<semaphore_mem>>
      %dma_start3A_19 = tpu.memref_slice %arg3[%add3A_4] : memref<16384xi32, #tpu.memory_space<hbm>> -> memref<256xi32, #tpu.memory_space<hbm>>
      %dma_start3A_20 = tpu.memref_slice %arg3[%add3A_4] : memref<16384xi32, #tpu.memory_space<hbm>> -> memref<256xi32, #tpu.memory_space<hbm>>
      tpu.enqueue_dma source(%dma_start3A_20 : memref<256xi32, #tpu.memory_space<hbm>>) target(%arg5 : memref<256xi32, #tpu.memory_space<vmem>>) target_semaphore(%run_scoped3A : memref<!tpu.dma_semaphore, #tpu.memory_space<semaphore_mem>>)
      %dma_wait3A_21 = tpu.memref_slice %arg3[%add3A_4] : memref<16384xi32, #tpu.memory_space<hbm>> -> memref<256xi32, #tpu.memory_space<hbm>>
      %dma_wait3A_22 = tpu.memref_slice %arg3[%add3A_4] : memref<16384xi32, #tpu.memory_space<hbm>> -> memref<256xi32, #tpu.memory_space<hbm>>
      tpu.wait_dma2 semaphore(%run_scoped3A : memref<!tpu.dma_semaphore, #tpu.memory_space<semaphore_mem>>) src(%dma_wait3A_22 : memref<256xi32, #tpu.memory_space<hbm>>) dst(%arg5 : memref<256xi32, #tpu.memory_space<vmem>>)
      tpu.yield
    }) : () -> ()
    %dma_start3A = arith.constant 0 : i32
    %dma_start3A_5 = arith.constant 0 : i32
    %dma_start3A_6 = tpu.memref_slice %arg2[%dma_start3A, %dma_start3A_5] : memref<8192x256xf32, #tpu.memory_space<hbm>> -> memref<8192x256xf32, #tpu.memory_space<hbm>>
    tpu.enqueue_indirect_dma source(%dma_start3A_6 : memref<8192x256xf32, #tpu.memory_space<hbm>>) target(%arg6 : memref<256x256xf32, #tpu.memory_space<vmem>>) offsets(%arg5 : memref<256xi32, #tpu.memory_space<vmem>>) semaphore(%arg7 : memref<!tpu.dma_semaphore, #tpu.memory_space<semaphore_mem>>)
    %dma_wait3A = arith.constant 0 : i32
    %dma_wait3A_7 = arith.constant 0 : i32
    %dma_wait3A_8 = tpu.memref_slice %arg2[%dma_wait3A, %dma_wait3A_7] : memref<8192x256xf32, #tpu.memory_space<hbm>> -> memref<8192x256xf32, #tpu.memory_space<hbm>>
    tpu.wait_indirect_dma semaphore(%arg7 : memref<!tpu.dma_semaphore, #tpu.memory_space<semaphore_mem>>) src(%dma_wait3A_8 : memref<8192x256xf32, #tpu.memory_space<hbm>>) dst(%arg6 : memref<256x256xf32, #tpu.memory_space<vmem>>)
    "tpu.region"() ({
      %run_scoped3A = tpu.sem_alloc : memref<!tpu.dma_semaphore, #tpu.memory_space<semaphore_mem>>
      %dma_start3A_19 = arith.constant 0 : i32
      %dma_start3A_20 = tpu.memref_slice %arg4[%add3A_4, %dma_start3A_19] : memref<16384x256xf32, #tpu.memory_space<hbm>> -> memref<256x256xf32, #tpu.memory_space<hbm>>
      %dma_start3A_21 = arith.constant 0 : i32
      %dma_start3A_22 = tpu.memref_slice %arg4[%add3A_4, %dma_start3A_21] : memref<16384x256xf32, #tpu.memory_space<hbm>> -> memref<256x256xf32, #tpu.memory_space<hbm>>
      tpu.enqueue_dma source(%arg6 : memref<256x256xf32, #tpu.memory_space<vmem>>) target(%dma_start3A_22 : memref<256x256xf32, #tpu.memory_space<hbm>>) target_semaphore(%run_scoped3A : memref<!tpu.dma_semaphore, #tpu.memory_space<semaphore_mem>>)
      %dma_wait3A_23 = arith.constant 0 : i32
      %dma_wait3A_24 = tpu.memref_slice %arg4[%add3A_4, %dma_wait3A_23] : memref<16384x256xf32, #tpu.memory_space<hbm>> -> memref<256x256xf32, #tpu.memory_space<hbm>>
      %dma_wait3A_25 = arith.constant 0 : i32
      %dma_wait3A_26 = tpu.memref_slice %arg4[%add3A_4, %dma_wait3A_25] : memref<16384x256xf32, #tpu.memory_space<hbm>> -> memref<256x256xf32, #tpu.memory_space<hbm>>
      tpu.wait_dma2 semaphore(%run_scoped3A : memref<!tpu.dma_semaphore, #tpu.memory_space<semaphore_mem>>) src(%arg6 : memref<256x256xf32, #tpu.memory_space<vmem>>) dst(%dma_wait3A_26 : memref<256x256xf32, #tpu.memory_space<hbm>>)
      tpu.yield
    }) : () -> ()
    %mul3A_9 = arith.constant 512 : i32
    %mul3A_10 = arith.muli %add3A, %mul3A_9 : i32
    %add3A_11 = arith.constant 256 : i32
    %add3A_12 = arith.addi %mul3A_10, %add3A_11 : i32
    "tpu.region"() ({
      %run_scoped3A = tpu.sem_alloc : memref<!tpu.dma_semaphore, #tpu.memory_space<semaphore_mem>>
      %dma_start3A_19 = tpu.memref_slice %arg3[%add3A_12] : memref<16384xi32, #tpu.memory_space<hbm>> -> memref<256xi32, #tpu.memory_space<hbm>>
      %dma_start3A_20 = tpu.memref_slice %arg3[%add3A_12] : memref<16384xi32, #tpu.memory_space<hbm>> -> memref<256xi32, #tpu.memory_space<hbm>>
      tpu.enqueue_dma source(%dma_start3A_20 : memref<256xi32, #tpu.memory_space<hbm>>) target(%arg5 : memref<256xi32, #tpu.memory_space<vmem>>) target_semaphore(%run_scoped3A : memref<!tpu.dma_semaphore, #tpu.memory_space<semaphore_mem>>)
      %dma_wait3A_21 = tpu.memref_slice %arg3[%add3A_12] : memref<16384xi32, #tpu.memory_space<hbm>> -> memref<256xi32, #tpu.memory_space<hbm>>
      %dma_wait3A_22 = tpu.memref_slice %arg3[%add3A_12] : memref<16384xi32, #tpu.memory_space<hbm>> -> memref<256xi32, #tpu.memory_space<hbm>>
      tpu.wait_dma2 semaphore(%run_scoped3A : memref<!tpu.dma_semaphore, #tpu.memory_space<semaphore_mem>>) src(%dma_wait3A_22 : memref<256xi32, #tpu.memory_space<hbm>>) dst(%arg5 : memref<256xi32, #tpu.memory_space<vmem>>)
      tpu.yield
    }) : () -> ()
    %dma_start3A_13 = arith.constant 0 : i32
    %dma_start3A_14 = arith.constant 0 : i32
    %dma_start3A_15 = tpu.memref_slice %arg2[%dma_start3A_13, %dma_start3A_14] : memref<8192x256xf32, #tpu.memory_space<hbm>> -> memref<8192x256xf32, #tpu.memory_space<hbm>>
    tpu.enqueue_indirect_dma source(%dma_start3A_15 : memref<8192x256xf32, #tpu.memory_space<hbm>>) target(%arg6 : memref<256x256xf32, #tpu.memory_space<vmem>>) offsets(%arg5 : memref<256xi32, #tpu.memory_space<vmem>>) semaphore(%arg7 : memref<!tpu.dma_semaphore, #tpu.memory_space<semaphore_mem>>)
    %dma_wait3A_16 = arith.constant 0 : i32
    %dma_wait3A_17 = arith.constant 0 : i32
    %dma_wait3A_18 = tpu.memref_slice %arg2[%dma_wait3A_16, %dma_wait3A_17] : memref<8192x256xf32, #tpu.memory_space<hbm>> -> memref<8192x256xf32, #tpu.memory_space<hbm>>
    tpu.wait_indirect_dma semaphore(%arg7 : memref<!tpu.dma_semaphore, #tpu.memory_space<semaphore_mem>>) src(%dma_wait3A_18 : memref<8192x256xf32, #tpu.memory_space<hbm>>) dst(%arg6 : memref<256x256xf32, #tpu.memory_space<vmem>>)
    "tpu.region"() ({
      %run_scoped3A = tpu.sem_alloc : memref<!tpu.dma_semaphore, #tpu.memory_space<semaphore_mem>>
      %dma_start3A_19 = arith.constant 0 : i32
      %dma_start3A_20 = tpu.memref_slice %arg4[%add3A_12, %dma_start3A_19] : memref<16384x256xf32, #tpu.memory_space<hbm>> -> memref<256x256xf32, #tpu.memory_space<hbm>>
      %dma_start3A_21 = arith.constant 0 : i32
      %dma_start3A_22 = tpu.memref_slice %arg4[%add3A_12, %dma_start3A_21] : memref<16384x256xf32, #tpu.memory_space<hbm>> -> memref<256x256xf32, #tpu.memory_space<hbm>>
      tpu.enqueue_dma source(%arg6 : memref<256x256xf32, #tpu.memory_space<vmem>>) target(%dma_start3A_22 : memref<256x256xf32, #tpu.memory_space<hbm>>) target_semaphore(%run_scoped3A : memref<!tpu.dma_semaphore, #tpu.memory_space<semaphore_mem>>)
      %dma_wait3A_23 = arith.constant 0 : i32
      %dma_wait3A_24 = tpu.memref_slice %arg4[%add3A_12, %dma_wait3A_23] : memref<16384x256xf32, #tpu.memory_space<hbm>> -> memref<256x256xf32, #tpu.memory_space<hbm>>
      %dma_wait3A_25 = arith.constant 0 : i32
      %dma_wait3A_26 = tpu.memref_slice %arg4[%add3A_12, %dma_wait3A_25] : memref<16384x256xf32, #tpu.memory_space<hbm>> -> memref<256x256xf32, #tpu.memory_space<hbm>>
      tpu.wait_dma2 semaphore(%run_scoped3A : memref<!tpu.dma_semaphore, #tpu.memory_space<semaphore_mem>>) src(%arg6 : memref<256x256xf32, #tpu.memory_space<vmem>>) dst(%dma_wait3A_26 : memref<256x256xf32, #tpu.memory_space<hbm>>)
      tpu.yield
    }) : () -> ()
    return
  }
}

module attributes {stable_mosaic.version = 14 : i64} {
  func.func @_argmin_body(%arg0: i32, %arg1: i32, %arg2: memref<1024x1xf32, #tpu.memory_space<vmem>>, %arg3: memref<1x1408xf32, #tpu.memory_space<vmem>>, %arg4: memref<1024x256xf32, #tpu.memory_space<vmem>>, %arg5: memref<256x1408xf32, #tpu.memory_space<vmem>>, %arg6: memref<1024x1xi32, #tpu.memory_space<vmem>>, %arg7: memref<1024x1xf32, #tpu.memory_space<vmem>>, %arg8: memref<1024x1xi32, #tpu.memory_space<vmem>>, %arg9: memref<1024x1xf32, #tpu.memory_space<vmem>>, %arg10: memref<1024x1xi32, #tpu.memory_space<vmem>>) attributes {dimension_semantics = [#tpu.dimension_semantics<arbitrary>, #tpu.dimension_semantics<arbitrary>], iteration_bounds = array<i64: 16, 6>, scalar_prefetch = 0 : i64, scratch_operands = 4 : i64, tpu.core_type = #tpu.core_type<tc>, window_params = [{transform_indices = @transform_0, window_bounds = array<i64: 1024, 1>}, {transform_indices = @transform_1, window_bounds = array<i64: 1, 1408>}, {transform_indices = @transform_2, window_bounds = array<i64: 1024, 256>}, {transform_indices = @transform_3, window_bounds = array<i64: 256, 1408>}, {transform_indices = @transform_4, window_bounds = array<i64: 1024, 1>}]} {
    %get3A = arith.constant 0 : index
    %get3A_0 = arith.constant 0 : index
    %get3A_1 = vector.load %arg4[%get3A, %get3A_0] : memref<1024x256xf32, #tpu.memory_space<vmem>>, vector<1024x256xf32>
    %get3A_2 = arith.constant 0 : index
    %get3A_3 = arith.constant 0 : index
    %get3A_4 = vector.load %arg5[%get3A_2, %get3A_3] : memref<256x1408xf32, #tpu.memory_space<vmem>>, vector<256x1408xf32>
    %dot_general3A = arith.constant dense<0.000000e+00> : vector<1024x1408xf32>
    %dot_general3A_5 = tpu.matmul %get3A_1, %get3A_4, %dot_general3A {dimension_numbers = #tpu.dot_dimension_numbers<[1], [0], [0], [1], [0, 0, 1, 1], [], []>, transpose_lhs_hint = false} : vector<1024x256xf32>, vector<256x1408xf32>, vector<1024x1408xf32> -> vector<1024x1408xf32>
    %get3A_6 = arith.constant 0 : index
    %get3A_7 = arith.constant 0 : index
    %get3A_8 = vector.load %arg2[%get3A_6, %get3A_7] : memref<1024x1xf32, #tpu.memory_space<vmem>>, vector<1024x1xf32>
    %mul3A = arith.constant 2.000000e+00 : f32
    %mul3A_9 = vector.broadcast %mul3A : f32 to vector<1024x1408xf32>
    %mul3A_10 = arith.mulf %mul3A_9, %dot_general3A_5 : vector<1024x1408xf32>
    %sub3A = vector.broadcast %get3A_8 : vector<1024x1xf32> to vector<1024x1408xf32>
    %sub3A_11 = arith.subf %sub3A, %mul3A_10 : vector<1024x1408xf32>
    %get3A_12 = arith.constant 0 : index
    %get3A_13 = arith.constant 0 : index
    %get3A_14 = vector.load %arg3[%get3A_12, %get3A_13] : memref<1x1408xf32, #tpu.memory_space<vmem>>, vector<1x1408xf32>
    %add3A = vector.broadcast %get3A_14 : vector<1x1408xf32> to vector<1024x1408xf32>
    %add3A_15 = arith.addf %sub3A_11, %add3A : vector<1024x1408xf32>
    %reduce_min3A = arith.constant dense<0x7F800000> : vector<1024xf32>
    %reduce_min3A_16 = vector.multi_reduction <minimumf>, %add3A_15, %reduce_min3A [1] : vector<1024x1408xf32> to vector<1024xf32>
    %broadcast_in_dim3A = vector.shape_cast %reduce_min3A_16 : vector<1024xf32> to vector<1024x1xf32>
    %iota3A = tpu.iota {dimensions = array<i32: 1>} : vector<1024x1408xi32>
    %eq3A = vector.broadcast %broadcast_in_dim3A : vector<1024x1xf32> to vector<1024x1408xf32>
    %eq3A_17 = arith.cmpf oeq, %add3A_15, %eq3A : vector<1024x1408xf32>
    %jit3A = arith.constant 1073741824 : i32
    %broadcast_in_dim3A_18 = vector.broadcast %jit3A : i32 to vector<1024x1408xi32>
    %select_n3A = arith.select %eq3A_17, %iota3A, %broadcast_in_dim3A_18 : vector<1024x1408xi1>, vector<1024x1408xi32>
    %reduce_min3A_19 = arith.constant dense<2147483647> : vector<1024xi32>
    %reduce_min3A_20 = vector.multi_reduction <minsi>, %select_n3A, %reduce_min3A_19 [1] : vector<1024x1408xi32> to vector<1024xi32>
    %broadcast_in_dim3A_21 = vector.shape_cast %reduce_min3A_20 : vector<1024xi32> to vector<1024x1xi32>
    %mul3A_22 = arith.constant 1408 : i32
    %mul3A_23 = arith.muli %arg1, %mul3A_22 : i32
    %add3A_24 = vector.broadcast %mul3A_23 : i32 to vector<1024x1xi32>
    %add3A_25 = arith.addi %broadcast_in_dim3A_21, %add3A_24 : vector<1024x1xi32>
    %jit3A_26 = arith.constant 2 : i32
    %eq3A_27 = arith.constant 0 : i32
    %eq3A_28 = arith.cmpi eq, %jit3A_26, %eq3A_27 : i32
    %jit3A_29 = arith.constant 1 : i32
    %select_n3A_30 = arith.select %eq3A_28, %jit3A_29, %jit3A_26 : i32
    %rem3A = arith.remsi %arg1, %select_n3A_30 : i32
    %ne3A = arith.constant 0 : i32
    %ne3A_31 = arith.cmpi ne, %rem3A, %ne3A : i32
    %lt3A = arith.constant 0 : i32
    %lt3A_32 = arith.cmpi slt, %rem3A, %lt3A : i32
    %lt3A_33 = arith.constant 0 : i32
    %lt3A_34 = arith.cmpi slt, %select_n3A_30, %lt3A_33 : i32
    %ne3A_35 = arith.xori %lt3A_32, %lt3A_34 : i1
    %and3A = arith.andi %ne3A_35, %ne3A_31 : i1
    %add3A_36 = arith.addi %rem3A, %select_n3A_30 : i32
    %select_n3A_37 = arith.select %and3A, %add3A_36, %rem3A : i32
    %eq3A_38 = arith.constant 0 : i32
    %eq3A_39 = arith.cmpi eq, %select_n3A_37, %eq3A_38 : i32
    %convert_element_type3A = arith.extui %eq3A_39 : i1 to i32
    %cond3A = arith.constant 0 : i32
    %cond3A_40 = arith.cmpi ne, %convert_element_type3A, %cond3A : i32
    scf.if %cond3A_40 {
      %swap3A = arith.constant 0 : index
      %swap3A_67 = arith.constant 0 : index
      %swap3A_68 = vector.load %arg7[%swap3A, %swap3A_67] : memref<1024x1xf32, #tpu.memory_space<vmem>>, vector<1024x1xf32>
      tpu.vector_store %arg7[%swap3A, %swap3A_67], %broadcast_in_dim3A {strides = array<i32>} : memref<1024x1xf32, #tpu.memory_space<vmem>>, vector<1024x1xf32>,
      %swap3A_69 = arith.constant 0 : index
      %swap3A_70 = arith.constant 0 : index
      %swap3A_71 = vector.load %arg8[%swap3A_69, %swap3A_70] : memref<1024x1xi32, #tpu.memory_space<vmem>>, vector<1024x1xi32>
      tpu.vector_store %arg8[%swap3A_69, %swap3A_70], %add3A_25 {strides = array<i32>} : memref<1024x1xi32, #tpu.memory_space<vmem>>, vector<1024x1xi32>,
    } else {
    }
    %jit3A_41 = arith.constant 2 : i32
    %eq3A_42 = arith.constant 0 : i32
    %eq3A_43 = arith.cmpi eq, %jit3A_41, %eq3A_42 : i32
    %jit3A_44 = arith.constant 1 : i32
    %select_n3A_45 = arith.select %eq3A_43, %jit3A_44, %jit3A_41 : i32
    %rem3A_46 = arith.remsi %arg1, %select_n3A_45 : i32
    %ne3A_47 = arith.constant 0 : i32
    %ne3A_48 = arith.cmpi ne, %rem3A_46, %ne3A_47 : i32
    %lt3A_49 = arith.constant 0 : i32
    %lt3A_50 = arith.cmpi slt, %rem3A_46, %lt3A_49 : i32
    %lt3A_51 = arith.constant 0 : i32
    %lt3A_52 = arith.cmpi slt, %select_n3A_45, %lt3A_51 : i32
    %ne3A_53 = arith.xori %lt3A_50, %lt3A_52 : i1
    %and3A_54 = arith.andi %ne3A_53, %ne3A_48 : i1
    %add3A_55 = arith.addi %rem3A_46, %select_n3A_45 : i32
    %select_n3A_56 = arith.select %and3A_54, %add3A_55, %rem3A_46 : i32
    %eq3A_57 = arith.constant 1 : i32
    %eq3A_58 = arith.cmpi eq, %select_n3A_56, %eq3A_57 : i32
    %convert_element_type3A_59 = arith.extui %eq3A_58 : i1 to i32
    %cond3A_60 = arith.constant 0 : i32
    %cond3A_61 = arith.cmpi ne, %convert_element_type3A_59, %cond3A_60 : i32
    scf.if %cond3A_61 {
      %get3A_67 = arith.constant 0 : index
      %get3A_68 = arith.constant 0 : index
      %get3A_69 = vector.load %arg7[%get3A_67, %get3A_68] : memref<1024x1xf32, #tpu.memory_space<vmem>>, vector<1024x1xf32>
      %lt3A_70 = arith.cmpf olt, %broadcast_in_dim3A, %get3A_69 : vector<1024x1xf32>
      %get3A_71 = arith.constant 0 : index
      %get3A_72 = arith.constant 0 : index
      %get3A_73 = vector.load %arg7[%get3A_71, %get3A_72] : memref<1024x1xf32, #tpu.memory_space<vmem>>, vector<1024x1xf32>
      %select_n3A_74 = arith.select %lt3A_70, %broadcast_in_dim3A, %get3A_73 : vector<1024x1xi1>, vector<1024x1xf32>
      %get3A_75 = arith.constant 0 : index
      %get3A_76 = arith.constant 0 : index
      %get3A_77 = vector.load %arg8[%get3A_75, %get3A_76] : memref<1024x1xi32, #tpu.memory_space<vmem>>, vector<1024x1xi32>
      %select_n3A_78 = arith.select %lt3A_70, %add3A_25, %get3A_77 : vector<1024x1xi1>, vector<1024x1xi32>
      %broadcast_in_dim3A_79 = arith.constant 0x7F800000 : f32
      %broadcast_in_dim3A_80 = vector.broadcast %broadcast_in_dim3A_79 : f32 to vector<1024x1xf32>
      %eq3A_81 = arith.constant 1 : i32
      %eq3A_82 = arith.cmpi eq, %arg1, %eq3A_81 : i32
      %get3A_83 = arith.constant 0 : index
      %get3A_84 = arith.constant 0 : index
      %get3A_85 = vector.load %arg9[%get3A_83, %get3A_84] : memref<1024x1xf32, #tpu.memory_space<vmem>>, vector<1024x1xf32>
      %select_n3A_86 = arith.select %eq3A_82, %broadcast_in_dim3A_80, %get3A_85 : vector<1024x1xf32>
      %eq3A_87 = arith.constant 1 : i32
      %eq3A_88 = arith.cmpi eq, %arg1, %eq3A_87 : i32
      %broadcast_in_dim3A_89 = arith.constant 0 : i32
      %broadcast_in_dim3A_90 = vector.broadcast %broadcast_in_dim3A_89 : i32 to vector<1024x1xi32>
      %get3A_91 = arith.constant 0 : index
      %get3A_92 = arith.constant 0 : index
      %get3A_93 = vector.load %arg10[%get3A_91, %get3A_92] : memref<1024x1xi32, #tpu.memory_space<vmem>>, vector<1024x1xi32>
      %select_n3A_94 = arith.select %eq3A_88, %broadcast_in_dim3A_90, %get3A_93 : vector<1024x1xi32>
      %lt3A_95 = arith.cmpf olt, %select_n3A_74, %select_n3A_86 : vector<1024x1xf32>
      %convert_element_type3A_96 = arith.truncf %select_n3A_74 : vector<1024x1xf32> to vector<1024x1xbf16>
      %convert_element_type3A_97 = arith.extf %convert_element_type3A_96 : vector<1024x1xbf16> to vector<1024x1xf32>
      %select_n3A_98 = arith.select %lt3A_95, %convert_element_type3A_97, %select_n3A_86 : vector<1024x1xi1>, vector<1024x1xf32>
      %swap3A = arith.constant 0 : index
      %swap3A_99 = arith.constant 0 : index
      %swap3A_100 = vector.load %arg9[%swap3A, %swap3A_99] : memref<1024x1xf32, #tpu.memory_space<vmem>>, vector<1024x1xf32>
      tpu.vector_store %arg9[%swap3A, %swap3A_99], %select_n3A_98 {strides = array<i32>} : memref<1024x1xf32, #tpu.memory_space<vmem>>, vector<1024x1xf32>,
      %select_n3A_101 = arith.select %lt3A_95, %select_n3A_78, %select_n3A_94 : vector<1024x1xi1>, vector<1024x1xi32>
      %swap3A_102 = arith.constant 0 : index
      %swap3A_103 = arith.constant 0 : index
      %swap3A_104 = vector.load %arg10[%swap3A_102, %swap3A_103] : memref<1024x1xi32, #tpu.memory_space<vmem>>, vector<1024x1xi32>
      tpu.vector_store %arg10[%swap3A_102, %swap3A_103], %select_n3A_101 {strides = array<i32>} : memref<1024x1xi32, #tpu.memory_space<vmem>>, vector<1024x1xi32>,
    } else {
    }
    %eq3A_62 = arith.constant 5 : i32
    %eq3A_63 = arith.cmpi eq, %arg1, %eq3A_62 : i32
    %convert_element_type3A_64 = arith.extui %eq3A_63 : i1 to i32
    %cond3A_65 = arith.constant 0 : i32
    %cond3A_66 = arith.cmpi ne, %convert_element_type3A_64, %cond3A_65 : i32
    scf.if %cond3A_66 {
      %get3A_67 = arith.constant 0 : index
      %get3A_68 = arith.constant 0 : index
      %get3A_69 = vector.load %arg10[%get3A_67, %get3A_68] : memref<1024x1xi32, #tpu.memory_space<vmem>>, vector<1024x1xi32>
      %swap3A = arith.constant 0 : index
      %swap3A_70 = arith.constant 0 : index
      %swap3A_71 = vector.load %arg6[%swap3A, %swap3A_70] : memref<1024x1xi32, #tpu.memory_space<vmem>>, vector<1024x1xi32>
      tpu.vector_store %arg6[%swap3A, %swap3A_70], %get3A_69 {strides = array<i32>} : memref<1024x1xi32, #tpu.memory_space<vmem>>, vector<1024x1xi32>,
    } else {
    }
    return
  }
  func.func @transform_0(%arg0: i32, %arg1: i32) -> (i32, i32) {
    %c0_i32 = arith.constant 0 : i32
    %c0_i32_0 = arith.constant 0 : i32
    return %arg0, %c0_i32 : i32, i32
  }
  func.func @transform_1(%arg0: i32, %arg1: i32) -> (i32, i32) {
    %c0_i32 = arith.constant 0 : i32
    %c0_i32_0 = arith.constant 0 : i32
    return %c0_i32, %arg1 : i32, i32
  }
  func.func @transform_2(%arg0: i32, %arg1: i32) -> (i32, i32) {
    %c0_i32 = arith.constant 0 : i32
    %c0_i32_0 = arith.constant 0 : i32
    return %arg0, %c0_i32 : i32, i32
  }
  func.func @transform_3(%arg0: i32, %arg1: i32) -> (i32, i32) {
    %c0_i32 = arith.constant 0 : i32
    %c0_i32_0 = arith.constant 0 : i32
    return %c0_i32, %arg1 : i32, i32
  }
  func.func @transform_4(%arg0: i32, %arg1: i32) -> (i32, i32) {
    %c0_i32 = arith.constant 0 : i32
    %c0_i32_0 = arith.constant 0 : i32
    return %arg0, %c0_i32 : i32, i32
  }
}

module attributes {stable_mosaic.version = 14 : i64} {
  func.func @_scatter_body(%arg0: i32, %arg1: memref<1024x1xi32, #tpu.memory_space<vmem>>, %arg2: memref<1024x256xf32, #tpu.memory_space<vmem>>, %arg3: memref<8192x256xf32, #tpu.memory_space<vmem>>, %arg4: memref<1x8192xf32, #tpu.memory_space<vmem>>) attributes {dimension_semantics = [#tpu.dimension_semantics<arbitrary>], iteration_bounds = array<i64: 16>, scalar_prefetch = 0 : i64, scratch_operands = 0 : i64, tpu.core_type = #tpu.core_type<tc>, window_params = [{transform_indices = @transform_0, window_bounds = array<i64: 1024, 1>}, {transform_indices = @transform_1, window_bounds = array<i64: 1024, 256>}, {pipeline_mode = #tpu.pipeline_mode<synchronous>, transform_indices = @transform_2, window_bounds = array<i64: 8192, 256>}, {pipeline_mode = #tpu.pipeline_mode<synchronous>, transform_indices = @transform_3, window_bounds = array<i64: 1, 8192>}]} {
    %eq3A = arith.constant 0 : i32
    %eq3A_0 = arith.cmpi eq, %arg0, %eq3A : i32
    %convert_element_type3A = arith.extui %eq3A_0 : i1 to i32
    %cond3A = arith.constant 0 : i32
    %cond3A_1 = arith.cmpi ne, %convert_element_type3A, %cond3A : i32
    scf.if %cond3A_1 {
      %broadcast_in_dim3A = arith.constant 0.000000e+00 : f32
      %broadcast_in_dim3A_234 = vector.broadcast %broadcast_in_dim3A : f32 to vector<8192x256xf32>
      %swap3A_235 = arith.constant 0 : index
      %swap3A_236 = arith.constant 0 : index
      %swap3A_237 = vector.load %arg3[%swap3A_235, %swap3A_236] : memref<8192x256xf32, #tpu.memory_space<vmem>>, vector<8192x256xf32>
      tpu.vector_store %arg3[%swap3A_235, %swap3A_236], %broadcast_in_dim3A_234 {strides = array<i32>} : memref<8192x256xf32, #tpu.memory_space<vmem>>, vector<8192x256xf32>,
      %broadcast_in_dim3A_238 = arith.constant 0.000000e+00 : f32
      %broadcast_in_dim3A_239 = vector.broadcast %broadcast_in_dim3A_238 : f32 to vector<1x8192xf32>
      %swap3A_240 = arith.constant 0 : index
      %swap3A_241 = arith.constant 0 : index
      %swap3A_242 = vector.load %arg4[%swap3A_240, %swap3A_241] : memref<1x8192xf32, #tpu.memory_space<vmem>>, vector<1x8192xf32>
      tpu.vector_store %arg4[%swap3A_240, %swap3A_241], %broadcast_in_dim3A_239 {strides = array<i32>} : memref<1x8192xf32, #tpu.memory_space<vmem>>, vector<1x8192xf32>,
    } else {
    }
    %get3A = arith.constant 0 : index
    %get3A_2 = arith.constant 0 : index
    %get3A_3 = vector.load %arg1[%get3A, %get3A_2] : memref<1024x1xi32, #tpu.memory_space<vmem>>, vector<1024x1xi32>
    %get3A_4 = arith.constant 0 : index
    %get3A_5 = arith.constant 0 : index
    %get3A_6 = vector.load %arg2[%get3A_4, %get3A_5] : memref<1024x256xf32, #tpu.memory_space<vmem>>, vector<1024x256xf32>
    %iota3A = tpu.iota {dimensions = array<i32: 1>} : vector<1024x1024xi32>
    %add3A = arith.constant 0 : i32
    %add3A_7 = vector.broadcast %add3A : i32 to vector<1024x1024xi32>
    %add3A_8 = arith.addi %iota3A, %add3A_7 : vector<1024x1024xi32>
    %eq3A_9 = vector.broadcast %get3A_3 : vector<1024x1xi32> to vector<1024x1024xi32>
    %eq3A_10 = arith.cmpi eq, %eq3A_9, %add3A_8 : vector<1024x1024xi32>
    %convert_element_type3A_11 = arith.extui %eq3A_10 : vector<1024x1024xi1> to vector<1024x1024xi32>
    %convert_element_type3A_12 = arith.sitofp %convert_element_type3A_11 : vector<1024x1024xi32> to vector<1024x1024xf32>
    %dot_general3A = arith.constant dense<0.000000e+00> : vector<1024x256xf32>
    %dot_general3A_13 = tpu.matmul %convert_element_type3A_12, %get3A_6, %dot_general3A {dimension_numbers = #tpu.dot_dimension_numbers<[0], [0], [1], [1], [0, 1, 1, 1], [], []>, transpose_lhs_hint = false} : vector<1024x1024xf32>, vector<1024x256xf32>, vector<1024x256xf32> -> vector<1024x256xf32>
    %get3A_14 = arith.constant 0 : index
    %get3A_15 = arith.constant 0 : index
    %get3A_16 = vector.load %arg3[%get3A_14, %get3A_15] : memref<8192x256xf32, #tpu.memory_space<vmem>>, vector<1024x256xf32>
    %add3A_17 = arith.addf %get3A_16, %dot_general3A_13 : vector<1024x256xf32>
    %swap3A = arith.constant 0 : index
    %swap3A_18 = arith.constant 0 : index
    %swap3A_19 = vector.load %arg3[%swap3A, %swap3A_18] : memref<8192x256xf32, #tpu.memory_space<vmem>>, vector<1024x256xf32>
    tpu.vector_store %arg3[%swap3A, %swap3A_18], %add3A_17 {strides = array<i32>} : memref<8192x256xf32, #tpu.memory_space<vmem>>, vector<1024x256xf32>,
    %get3A_20 = arith.constant 0 : index
    %get3A_21 = arith.constant 0 : index
    %get3A_22 = vector.load %arg4[%get3A_20, %get3A_21] : memref<1x8192xf32, #tpu.memory_space<vmem>>, vector<1x1024xf32>
    %get3A_23 = vector.shape_cast %get3A_22 : vector<1x1024xf32> to vector<1024xf32>
    %reduce_sum3A = arith.constant dense<0.000000e+00> : vector<1024xf32>
    %reduce_sum3A_24 = vector.multi_reduction <add>, %convert_element_type3A_12, %reduce_sum3A [0] : vector<1024x1024xf32> to vector<1024xf32>
    %add3A_25 = arith.addf %get3A_23, %reduce_sum3A_24 : vector<1024xf32>
    %swap3A_26 = arith.constant 0 : index
    %swap3A_27 = arith.constant 0 : index
    %swap3A_28 = vector.load %arg4[%swap3A_26, %swap3A_27] : memref<1x8192xf32, #tpu.memory_space<vmem>>, vector<1x1024xf32>
    %swap3A_29 = vector.shape_cast %swap3A_28 : vector<1x1024xf32> to vector<1024xf32>
    %swap3A_30 = vector.shape_cast %add3A_25 : vector<1024xf32> to vector<1x1024xf32>
    tpu.vector_store %arg4[%swap3A_26, %swap3A_27], %swap3A_30 {strides = array<i32>} : memref<1x8192xf32, #tpu.memory_space<vmem>>, vector<1x1024xf32>,
    %iota3A_31 = tpu.iota {dimensions = array<i32: 1>} : vector<1024x1024xi32>
    %add3A_32 = arith.constant 1024 : i32
    %add3A_33 = vector.broadcast %add3A_32 : i32 to vector<1024x1024xi32>
    %add3A_34 = arith.addi %iota3A_31, %add3A_33 : vector<1024x1024xi32>
    %eq3A_35 = vector.broadcast %get3A_3 : vector<1024x1xi32> to vector<1024x1024xi32>
    %eq3A_36 = arith.cmpi eq, %eq3A_35, %add3A_34 : vector<1024x1024xi32>
    %convert_element_type3A_37 = arith.extui %eq3A_36 : vector<1024x1024xi1> to vector<1024x1024xi32>
    %convert_element_type3A_38 = arith.sitofp %convert_element_type3A_37 : vector<1024x1024xi32> to vector<1024x1024xf32>
    %dot_general3A_39 = arith.constant dense<0.000000e+00> : vector<1024x256xf32>
    %dot_general3A_40 = tpu.matmul %convert_element_type3A_38, %get3A_6, %dot_general3A_39 {dimension_numbers = #tpu.dot_dimension_numbers<[0], [0], [1], [1], [0, 1, 1, 1], [], []>, transpose_lhs_hint = false} : vector<1024x1024xf32>, vector<1024x256xf32>, vector<1024x256xf32> -> vector<1024x256xf32>
    %get3A_41 = arith.constant 1024 : index
    %get3A_42 = arith.constant 0 : index
    %get3A_43 = vector.load %arg3[%get3A_41, %get3A_42] : memref<8192x256xf32, #tpu.memory_space<vmem>>, vector<1024x256xf32>
    %add3A_44 = arith.addf %get3A_43, %dot_general3A_40 : vector<1024x256xf32>
    %swap3A_45 = arith.constant 1024 : index
    %swap3A_46 = arith.constant 0 : index
    %swap3A_47 = vector.load %arg3[%swap3A_45, %swap3A_46] : memref<8192x256xf32, #tpu.memory_space<vmem>>, vector<1024x256xf32>
    tpu.vector_store %arg3[%swap3A_45, %swap3A_46], %add3A_44 {strides = array<i32>} : memref<8192x256xf32, #tpu.memory_space<vmem>>, vector<1024x256xf32>,
    %get3A_48 = arith.constant 0 : index
    %get3A_49 = arith.constant 1024 : index
    %get3A_50 = vector.load %arg4[%get3A_48, %get3A_49] : memref<1x8192xf32, #tpu.memory_space<vmem>>, vector<1x1024xf32>
    %get3A_51 = vector.shape_cast %get3A_50 : vector<1x1024xf32> to vector<1024xf32>
    %reduce_sum3A_52 = arith.constant dense<0.000000e+00> : vector<1024xf32>
    %reduce_sum3A_53 = vector.multi_reduction <add>, %convert_element_type3A_38, %reduce_sum3A_52 [0] : vector<1024x1024xf32> to vector<1024xf32>
    %add3A_54 = arith.addf %get3A_51, %reduce_sum3A_53 : vector<1024xf32>
    %swap3A_55 = arith.constant 0 : index
    %swap3A_56 = arith.constant 1024 : index
    %swap3A_57 = vector.load %arg4[%swap3A_55, %swap3A_56] : memref<1x8192xf32, #tpu.memory_space<vmem>>, vector<1x1024xf32>
    %swap3A_58 = vector.shape_cast %swap3A_57 : vector<1x1024xf32> to vector<1024xf32>
    %swap3A_59 = vector.shape_cast %add3A_54 : vector<1024xf32> to vector<1x1024xf32>
    tpu.vector_store %arg4[%swap3A_55, %swap3A_56], %swap3A_59 {strides = array<i32>} : memref<1x8192xf32, #tpu.memory_space<vmem>>, vector<1x1024xf32>,
    %iota3A_60 = tpu.iota {dimensions = array<i32: 1>} : vector<1024x1024xi32>
    %add3A_61 = arith.constant 2048 : i32
    %add3A_62 = vector.broadcast %add3A_61 : i32 to vector<1024x1024xi32>
    %add3A_63 = arith.addi %iota3A_60, %add3A_62 : vector<1024x1024xi32>
    %eq3A_64 = vector.broadcast %get3A_3 : vector<1024x1xi32> to vector<1024x1024xi32>
    %eq3A_65 = arith.cmpi eq, %eq3A_64, %add3A_63 : vector<1024x1024xi32>
    %convert_element_type3A_66 = arith.extui %eq3A_65 : vector<1024x1024xi1> to vector<1024x1024xi32>
    %convert_element_type3A_67 = arith.sitofp %convert_element_type3A_66 : vector<1024x1024xi32> to vector<1024x1024xf32>
    %dot_general3A_68 = arith.constant dense<0.000000e+00> : vector<1024x256xf32>
    %dot_general3A_69 = tpu.matmul %convert_element_type3A_67, %get3A_6, %dot_general3A_68 {dimension_numbers = #tpu.dot_dimension_numbers<[0], [0], [1], [1], [0, 1, 1, 1], [], []>, transpose_lhs_hint = false} : vector<1024x1024xf32>, vector<1024x256xf32>, vector<1024x256xf32> -> vector<1024x256xf32>
    %get3A_70 = arith.constant 2048 : index
    %get3A_71 = arith.constant 0 : index
    %get3A_72 = vector.load %arg3[%get3A_70, %get3A_71] : memref<8192x256xf32, #tpu.memory_space<vmem>>, vector<1024x256xf32>
    %add3A_73 = arith.addf %get3A_72, %dot_general3A_69 : vector<1024x256xf32>
    %swap3A_74 = arith.constant 2048 : index
    %swap3A_75 = arith.constant 0 : index
    %swap3A_76 = vector.load %arg3[%swap3A_74, %swap3A_75] : memref<8192x256xf32, #tpu.memory_space<vmem>>, vector<1024x256xf32>
    tpu.vector_store %arg3[%swap3A_74, %swap3A_75], %add3A_73 {strides = array<i32>} : memref<8192x256xf32, #tpu.memory_space<vmem>>, vector<1024x256xf32>,
    %get3A_77 = arith.constant 0 : index
    %get3A_78 = arith.constant 2048 : index
    %get3A_79 = vector.load %arg4[%get3A_77, %get3A_78] : memref<1x8192xf32, #tpu.memory_space<vmem>>, vector<1x1024xf32>
    %get3A_80 = vector.shape_cast %get3A_79 : vector<1x1024xf32> to vector<1024xf32>
    %reduce_sum3A_81 = arith.constant dense<0.000000e+00> : vector<1024xf32>
    %reduce_sum3A_82 = vector.multi_reduction <add>, %convert_element_type3A_67, %reduce_sum3A_81 [0] : vector<1024x1024xf32> to vector<1024xf32>
    %add3A_83 = arith.addf %get3A_80, %reduce_sum3A_82 : vector<1024xf32>
    %swap3A_84 = arith.constant 0 : index
    %swap3A_85 = arith.constant 2048 : index
    %swap3A_86 = vector.load %arg4[%swap3A_84, %swap3A_85] : memref<1x8192xf32, #tpu.memory_space<vmem>>, vector<1x1024xf32>
    %swap3A_87 = vector.shape_cast %swap3A_86 : vector<1x1024xf32> to vector<1024xf32>
    %swap3A_88 = vector.shape_cast %add3A_83 : vector<1024xf32> to vector<1x1024xf32>
    tpu.vector_store %arg4[%swap3A_84, %swap3A_85], %swap3A_88 {strides = array<i32>} : memref<1x8192xf32, #tpu.memory_space<vmem>>, vector<1x1024xf32>,
    %iota3A_89 = tpu.iota {dimensions = array<i32: 1>} : vector<1024x1024xi32>
    %add3A_90 = arith.constant 3072 : i32
    %add3A_91 = vector.broadcast %add3A_90 : i32 to vector<1024x1024xi32>
    %add3A_92 = arith.addi %iota3A_89, %add3A_91 : vector<1024x1024xi32>
    %eq3A_93 = vector.broadcast %get3A_3 : vector<1024x1xi32> to vector<1024x1024xi32>
    %eq3A_94 = arith.cmpi eq, %eq3A_93, %add3A_92 : vector<1024x1024xi32>
    %convert_element_type3A_95 = arith.extui %eq3A_94 : vector<1024x1024xi1> to vector<1024x1024xi32>
    %convert_element_type3A_96 = arith.sitofp %convert_element_type3A_95 : vector<1024x1024xi32> to vector<1024x1024xf32>
    %dot_general3A_97 = arith.constant dense<0.000000e+00> : vector<1024x256xf32>
    %dot_general3A_98 = tpu.matmul %convert_element_type3A_96, %get3A_6, %dot_general3A_97 {dimension_numbers = #tpu.dot_dimension_numbers<[0], [0], [1], [1], [0, 1, 1, 1], [], []>, transpose_lhs_hint = false} : vector<1024x1024xf32>, vector<1024x256xf32>, vector<1024x256xf32> -> vector<1024x256xf32>
    %get3A_99 = arith.constant 3072 : index
    %get3A_100 = arith.constant 0 : index
    %get3A_101 = vector.load %arg3[%get3A_99, %get3A_100] : memref<8192x256xf32, #tpu.memory_space<vmem>>, vector<1024x256xf32>
    %add3A_102 = arith.addf %get3A_101, %dot_general3A_98 : vector<1024x256xf32>
    %swap3A_103 = arith.constant 3072 : index
    %swap3A_104 = arith.constant 0 : index
    %swap3A_105 = vector.load %arg3[%swap3A_103, %swap3A_104] : memref<8192x256xf32, #tpu.memory_space<vmem>>, vector<1024x256xf32>
    tpu.vector_store %arg3[%swap3A_103, %swap3A_104], %add3A_102 {strides = array<i32>} : memref<8192x256xf32, #tpu.memory_space<vmem>>, vector<1024x256xf32>,
    %get3A_106 = arith.constant 0 : index
    %get3A_107 = arith.constant 3072 : index
    %get3A_108 = vector.load %arg4[%get3A_106, %get3A_107] : memref<1x8192xf32, #tpu.memory_space<vmem>>, vector<1x1024xf32>
    %get3A_109 = vector.shape_cast %get3A_108 : vector<1x1024xf32> to vector<1024xf32>
    %reduce_sum3A_110 = arith.constant dense<0.000000e+00> : vector<1024xf32>
    %reduce_sum3A_111 = vector.multi_reduction <add>, %convert_element_type3A_96, %reduce_sum3A_110 [0] : vector<1024x1024xf32> to vector<1024xf32>
    %add3A_112 = arith.addf %get3A_109, %reduce_sum3A_111 : vector<1024xf32>
    %swap3A_113 = arith.constant 0 : index
    %swap3A_114 = arith.constant 3072 : index
    %swap3A_115 = vector.load %arg4[%swap3A_113, %swap3A_114] : memref<1x8192xf32, #tpu.memory_space<vmem>>, vector<1x1024xf32>
    %swap3A_116 = vector.shape_cast %swap3A_115 : vector<1x1024xf32> to vector<1024xf32>
    %swap3A_117 = vector.shape_cast %add3A_112 : vector<1024xf32> to vector<1x1024xf32>
    tpu.vector_store %arg4[%swap3A_113, %swap3A_114], %swap3A_117 {strides = array<i32>} : memref<1x8192xf32, #tpu.memory_space<vmem>>, vector<1x1024xf32>,
    %iota3A_118 = tpu.iota {dimensions = array<i32: 1>} : vector<1024x1024xi32>
    %add3A_119 = arith.constant 4096 : i32
    %add3A_120 = vector.broadcast %add3A_119 : i32 to vector<1024x1024xi32>
    %add3A_121 = arith.addi %iota3A_118, %add3A_120 : vector<1024x1024xi32>
    %eq3A_122 = vector.broadcast %get3A_3 : vector<1024x1xi32> to vector<1024x1024xi32>
    %eq3A_123 = arith.cmpi eq, %eq3A_122, %add3A_121 : vector<1024x1024xi32>
    %convert_element_type3A_124 = arith.extui %eq3A_123 : vector<1024x1024xi1> to vector<1024x1024xi32>
    %convert_element_type3A_125 = arith.sitofp %convert_element_type3A_124 : vector<1024x1024xi32> to vector<1024x1024xf32>
    %dot_general3A_126 = arith.constant dense<0.000000e+00> : vector<1024x256xf32>
    %dot_general3A_127 = tpu.matmul %convert_element_type3A_125, %get3A_6, %dot_general3A_126 {dimension_numbers = #tpu.dot_dimension_numbers<[0], [0], [1], [1], [0, 1, 1, 1], [], []>, transpose_lhs_hint = false} : vector<1024x1024xf32>, vector<1024x256xf32>, vector<1024x256xf32> -> vector<1024x256xf32>
    %get3A_128 = arith.constant 4096 : index
    %get3A_129 = arith.constant 0 : index
    %get3A_130 = vector.load %arg3[%get3A_128, %get3A_129] : memref<8192x256xf32, #tpu.memory_space<vmem>>, vector<1024x256xf32>
    %add3A_131 = arith.addf %get3A_130, %dot_general3A_127 : vector<1024x256xf32>
    %swap3A_132 = arith.constant 4096 : index
    %swap3A_133 = arith.constant 0 : index
    %swap3A_134 = vector.load %arg3[%swap3A_132, %swap3A_133] : memref<8192x256xf32, #tpu.memory_space<vmem>>, vector<1024x256xf32>
    tpu.vector_store %arg3[%swap3A_132, %swap3A_133], %add3A_131 {strides = array<i32>} : memref<8192x256xf32, #tpu.memory_space<vmem>>, vector<1024x256xf32>,
    %get3A_135 = arith.constant 0 : index
    %get3A_136 = arith.constant 4096 : index
    %get3A_137 = vector.load %arg4[%get3A_135, %get3A_136] : memref<1x8192xf32, #tpu.memory_space<vmem>>, vector<1x1024xf32>
    %get3A_138 = vector.shape_cast %get3A_137 : vector<1x1024xf32> to vector<1024xf32>
    %reduce_sum3A_139 = arith.constant dense<0.000000e+00> : vector<1024xf32>
    %reduce_sum3A_140 = vector.multi_reduction <add>, %convert_element_type3A_125, %reduce_sum3A_139 [0] : vector<1024x1024xf32> to vector<1024xf32>
    %add3A_141 = arith.addf %get3A_138, %reduce_sum3A_140 : vector<1024xf32>
    %swap3A_142 = arith.constant 0 : index
    %swap3A_143 = arith.constant 4096 : index
    %swap3A_144 = vector.load %arg4[%swap3A_142, %swap3A_143] : memref<1x8192xf32, #tpu.memory_space<vmem>>, vector<1x1024xf32>
    %swap3A_145 = vector.shape_cast %swap3A_144 : vector<1x1024xf32> to vector<1024xf32>
    %swap3A_146 = vector.shape_cast %add3A_141 : vector<1024xf32> to vector<1x1024xf32>
    tpu.vector_store %arg4[%swap3A_142, %swap3A_143], %swap3A_146 {strides = array<i32>} : memref<1x8192xf32, #tpu.memory_space<vmem>>, vector<1x1024xf32>,
    %iota3A_147 = tpu.iota {dimensions = array<i32: 1>} : vector<1024x1024xi32>
    %add3A_148 = arith.constant 5120 : i32
    %add3A_149 = vector.broadcast %add3A_148 : i32 to vector<1024x1024xi32>
    %add3A_150 = arith.addi %iota3A_147, %add3A_149 : vector<1024x1024xi32>
    %eq3A_151 = vector.broadcast %get3A_3 : vector<1024x1xi32> to vector<1024x1024xi32>
    %eq3A_152 = arith.cmpi eq, %eq3A_151, %add3A_150 : vector<1024x1024xi32>
    %convert_element_type3A_153 = arith.extui %eq3A_152 : vector<1024x1024xi1> to vector<1024x1024xi32>
    %convert_element_type3A_154 = arith.sitofp %convert_element_type3A_153 : vector<1024x1024xi32> to vector<1024x1024xf32>
    %dot_general3A_155 = arith.constant dense<0.000000e+00> : vector<1024x256xf32>
    %dot_general3A_156 = tpu.matmul %convert_element_type3A_154, %get3A_6, %dot_general3A_155 {dimension_numbers = #tpu.dot_dimension_numbers<[0], [0], [1], [1], [0, 1, 1, 1], [], []>, transpose_lhs_hint = false} : vector<1024x1024xf32>, vector<1024x256xf32>, vector<1024x256xf32> -> vector<1024x256xf32>
    %get3A_157 = arith.constant 5120 : index
    %get3A_158 = arith.constant 0 : index
    %get3A_159 = vector.load %arg3[%get3A_157, %get3A_158] : memref<8192x256xf32, #tpu.memory_space<vmem>>, vector<1024x256xf32>
    %add3A_160 = arith.addf %get3A_159, %dot_general3A_156 : vector<1024x256xf32>
    %swap3A_161 = arith.constant 5120 : index
    %swap3A_162 = arith.constant 0 : index
    %swap3A_163 = vector.load %arg3[%swap3A_161, %swap3A_162] : memref<8192x256xf32, #tpu.memory_space<vmem>>, vector<1024x256xf32>
    tpu.vector_store %arg3[%swap3A_161, %swap3A_162], %add3A_160 {strides = array<i32>} : memref<8192x256xf32, #tpu.memory_space<vmem>>, vector<1024x256xf32>,
    %get3A_164 = arith.constant 0 : index
    %get3A_165 = arith.constant 5120 : index
    %get3A_166 = vector.load %arg4[%get3A_164, %get3A_165] : memref<1x8192xf32, #tpu.memory_space<vmem>>, vector<1x1024xf32>
    %get3A_167 = vector.shape_cast %get3A_166 : vector<1x1024xf32> to vector<1024xf32>
    %reduce_sum3A_168 = arith.constant dense<0.000000e+00> : vector<1024xf32>
    %reduce_sum3A_169 = vector.multi_reduction <add>, %convert_element_type3A_154, %reduce_sum3A_168 [0] : vector<1024x1024xf32> to vector<1024xf32>
    %add3A_170 = arith.addf %get3A_167, %reduce_sum3A_169 : vector<1024xf32>
    %swap3A_171 = arith.constant 0 : index
    %swap3A_172 = arith.constant 5120 : index
    %swap3A_173 = vector.load %arg4[%swap3A_171, %swap3A_172] : memref<1x8192xf32, #tpu.memory_space<vmem>>, vector<1x1024xf32>
    %swap3A_174 = vector.shape_cast %swap3A_173 : vector<1x1024xf32> to vector<1024xf32>
    %swap3A_175 = vector.shape_cast %add3A_170 : vector<1024xf32> to vector<1x1024xf32>
    tpu.vector_store %arg4[%swap3A_171, %swap3A_172], %swap3A_175 {strides = array<i32>} : memref<1x8192xf32, #tpu.memory_space<vmem>>, vector<1x1024xf32>,
    %iota3A_176 = tpu.iota {dimensions = array<i32: 1>} : vector<1024x1024xi32>
    %add3A_177 = arith.constant 6144 : i32
    %add3A_178 = vector.broadcast %add3A_177 : i32 to vector<1024x1024xi32>
    %add3A_179 = arith.addi %iota3A_176, %add3A_178 : vector<1024x1024xi32>
    %eq3A_180 = vector.broadcast %get3A_3 : vector<1024x1xi32> to vector<1024x1024xi32>
    %eq3A_181 = arith.cmpi eq, %eq3A_180, %add3A_179 : vector<1024x1024xi32>
    %convert_element_type3A_182 = arith.extui %eq3A_181 : vector<1024x1024xi1> to vector<1024x1024xi32>
    %convert_element_type3A_183 = arith.sitofp %convert_element_type3A_182 : vector<1024x1024xi32> to vector<1024x1024xf32>
    %dot_general3A_184 = arith.constant dense<0.000000e+00> : vector<1024x256xf32>
    %dot_general3A_185 = tpu.matmul %convert_element_type3A_183, %get3A_6, %dot_general3A_184 {dimension_numbers = #tpu.dot_dimension_numbers<[0], [0], [1], [1], [0, 1, 1, 1], [], []>, transpose_lhs_hint = false} : vector<1024x1024xf32>, vector<1024x256xf32>, vector<1024x256xf32> -> vector<1024x256xf32>
    %get3A_186 = arith.constant 6144 : index
    %get3A_187 = arith.constant 0 : index
    %get3A_188 = vector.load %arg3[%get3A_186, %get3A_187] : memref<8192x256xf32, #tpu.memory_space<vmem>>, vector<1024x256xf32>
    %add3A_189 = arith.addf %get3A_188, %dot_general3A_185 : vector<1024x256xf32>
    %swap3A_190 = arith.constant 6144 : index
    %swap3A_191 = arith.constant 0 : index
    %swap3A_192 = vector.load %arg3[%swap3A_190, %swap3A_191] : memref<8192x256xf32, #tpu.memory_space<vmem>>, vector<1024x256xf32>
    tpu.vector_store %arg3[%swap3A_190, %swap3A_191], %add3A_189 {strides = array<i32>} : memref<8192x256xf32, #tpu.memory_space<vmem>>, vector<1024x256xf32>,
    %get3A_193 = arith.constant 0 : index
    %get3A_194 = arith.constant 6144 : index
    %get3A_195 = vector.load %arg4[%get3A_193, %get3A_194] : memref<1x8192xf32, #tpu.memory_space<vmem>>, vector<1x1024xf32>
    %get3A_196 = vector.shape_cast %get3A_195 : vector<1x1024xf32> to vector<1024xf32>
    %reduce_sum3A_197 = arith.constant dense<0.000000e+00> : vector<1024xf32>
    %reduce_sum3A_198 = vector.multi_reduction <add>, %convert_element_type3A_183, %reduce_sum3A_197 [0] : vector<1024x1024xf32> to vector<1024xf32>
    %add3A_199 = arith.addf %get3A_196, %reduce_sum3A_198 : vector<1024xf32>
    %swap3A_200 = arith.constant 0 : index
    %swap3A_201 = arith.constant 6144 : index
    %swap3A_202 = vector.load %arg4[%swap3A_200, %swap3A_201] : memref<1x8192xf32, #tpu.memory_space<vmem>>, vector<1x1024xf32>
    %swap3A_203 = vector.shape_cast %swap3A_202 : vector<1x1024xf32> to vector<1024xf32>
    %swap3A_204 = vector.shape_cast %add3A_199 : vector<1024xf32> to vector<1x1024xf32>
    tpu.vector_store %arg4[%swap3A_200, %swap3A_201], %swap3A_204 {strides = array<i32>} : memref<1x8192xf32, #tpu.memory_space<vmem>>, vector<1x1024xf32>,
    %iota3A_205 = tpu.iota {dimensions = array<i32: 1>} : vector<1024x1024xi32>
    %add3A_206 = arith.constant 7168 : i32
    %add3A_207 = vector.broadcast %add3A_206 : i32 to vector<1024x1024xi32>
    %add3A_208 = arith.addi %iota3A_205, %add3A_207 : vector<1024x1024xi32>
    %eq3A_209 = vector.broadcast %get3A_3 : vector<1024x1xi32> to vector<1024x1024xi32>
    %eq3A_210 = arith.cmpi eq, %eq3A_209, %add3A_208 : vector<1024x1024xi32>
    %convert_element_type3A_211 = arith.extui %eq3A_210 : vector<1024x1024xi1> to vector<1024x1024xi32>
    %convert_element_type3A_212 = arith.sitofp %convert_element_type3A_211 : vector<1024x1024xi32> to vector<1024x1024xf32>
    %dot_general3A_213 = arith.constant dense<0.000000e+00> : vector<1024x256xf32>
    %dot_general3A_214 = tpu.matmul %convert_element_type3A_212, %get3A_6, %dot_general3A_213 {dimension_numbers = #tpu.dot_dimension_numbers<[0], [0], [1], [1], [0, 1, 1, 1], [], []>, transpose_lhs_hint = false} : vector<1024x1024xf32>, vector<1024x256xf32>, vector<1024x256xf32> -> vector<1024x256xf32>
    %get3A_215 = arith.constant 7168 : index
    %get3A_216 = arith.constant 0 : index
    %get3A_217 = vector.load %arg3[%get3A_215, %get3A_216] : memref<8192x256xf32, #tpu.memory_space<vmem>>, vector<1024x256xf32>
    %add3A_218 = arith.addf %get3A_217, %dot_general3A_214 : vector<1024x256xf32>
    %swap3A_219 = arith.constant 7168 : index
    %swap3A_220 = arith.constant 0 : index
    %swap3A_221 = vector.load %arg3[%swap3A_219, %swap3A_220] : memref<8192x256xf32, #tpu.memory_space<vmem>>, vector<1024x256xf32>
    tpu.vector_store %arg3[%swap3A_219, %swap3A_220], %add3A_218 {strides = array<i32>} : memref<8192x256xf32, #tpu.memory_space<vmem>>, vector<1024x256xf32>,
    %get3A_222 = arith.constant 0 : index
    %get3A_223 = arith.constant 7168 : index
    %get3A_224 = vector.load %arg4[%get3A_222, %get3A_223] : memref<1x8192xf32, #tpu.memory_space<vmem>>, vector<1x1024xf32>
    %get3A_225 = vector.shape_cast %get3A_224 : vector<1x1024xf32> to vector<1024xf32>
    %reduce_sum3A_226 = arith.constant dense<0.000000e+00> : vector<1024xf32>
    %reduce_sum3A_227 = vector.multi_reduction <add>, %convert_element_type3A_212, %reduce_sum3A_226 [0] : vector<1024x1024xf32> to vector<1024xf32>
    %add3A_228 = arith.addf %get3A_225, %reduce_sum3A_227 : vector<1024xf32>
    %swap3A_229 = arith.constant 0 : index
    %swap3A_230 = arith.constant 7168 : index
    %swap3A_231 = vector.load %arg4[%swap3A_229, %swap3A_230] : memref<1x8192xf32, #tpu.memory_space<vmem>>, vector<1x1024xf32>
    %swap3A_232 = vector.shape_cast %swap3A_231 : vector<1x1024xf32> to vector<1024xf32>
    %swap3A_233 = vector.shape_cast %add3A_228 : vector<1024xf32> to vector<1x1024xf32>
    tpu.vector_store %arg4[%swap3A_229, %swap3A_230], %swap3A_233 {strides = array<i32>} : memref<1x8192xf32, #tpu.memory_space<vmem>>, vector<1x1024xf32>,
    return
  }
  func.func @transform_0(%arg0: i32) -> (i32, i32) {
    %c0_i32 = arith.constant 0 : i32
    %c0_i32_0 = arith.constant 0 : i32
    return %arg0, %c0_i32 : i32, i32
  }
  func.func @transform_1(%arg0: i32) -> (i32, i32) {
    %c0_i32 = arith.constant 0 : i32
    %c0_i32_0 = arith.constant 0 : i32
    return %arg0, %c0_i32 : i32, i32
  }
  func.func @transform_2(%arg0: i32) -> (i32, i32) {
    %c0_i32 = arith.constant 0 : i32
    %c0_i32_0 = arith.constant 0 : i32
    %c0_i32_1 = arith.constant 0 : i32
    return %c0_i32, %c0_i32_0 : i32, i32
  }
  func.func @transform_3(%arg0: i32) -> (i32, i32) {
    %c0_i32 = arith.constant 0 : i32
    %c0_i32_0 = arith.constant 0 : i32
    %c0_i32_1 = arith.constant 0 : i32
    return %c0_i32, %c0_i32_0 : i32, i32
  }
}

module attributes {stable_mosaic.version = 14 : i64} {
  func.func @_norm_body(%arg0: i32, %arg1: memref<1x8192xf32, #tpu.memory_space<vmem>>, %arg2: memref<1x8192xf32, #tpu.memory_space<vmem>>, %arg3: memref<256x512xf32, #tpu.memory_space<vmem>>, %arg4: memref<512x256xf32, #tpu.memory_space<vmem>>, %arg5: memref<512x256xf32, #tpu.memory_space<vmem>>) attributes {dimension_semantics = [#tpu.dimension_semantics<arbitrary>], iteration_bounds = array<i64: 16>, scalar_prefetch = 0 : i64, scratch_operands = 0 : i64, tpu.core_type = #tpu.core_type<tc>, window_params = [{pipeline_mode = #tpu.pipeline_mode<synchronous>, transform_indices = @transform_0, window_bounds = array<i64: 1, 8192>}, {pipeline_mode = #tpu.pipeline_mode<synchronous>, transform_indices = @transform_1, window_bounds = array<i64: 1, 8192>}, {transform_indices = @transform_2, window_bounds = array<i64: 256, 512>}, {transform_indices = @transform_3, window_bounds = array<i64: 512, 256>}, {transform_indices = @transform_4, window_bounds = array<i64: 512, 256>}]} {
    %get3A = arith.constant 0 : index
    %get3A_0 = arith.constant 0 : index
    %get3A_1 = vector.load %arg1[%get3A, %get3A_0] : memref<1x8192xf32, #tpu.memory_space<vmem>>, vector<1x8192xf32>
    %mul3A = arith.constant 9.900000e-01 : f32
    %mul3A_2 = vector.broadcast %mul3A : f32 to vector<1x8192xf32>
    %mul3A_3 = arith.mulf %get3A_1, %mul3A_2 : vector<1x8192xf32>
    %get3A_4 = arith.constant 0 : index
    %get3A_5 = arith.constant 0 : index
    %get3A_6 = vector.load %arg2[%get3A_4, %get3A_5] : memref<1x8192xf32, #tpu.memory_space<vmem>>, vector<1x8192xf32>
    %mul3A_7 = arith.constant 0.00999999977 : f32
    %mul3A_8 = vector.broadcast %mul3A_7 : f32 to vector<1x8192xf32>
    %mul3A_9 = arith.mulf %get3A_6, %mul3A_8 : vector<1x8192xf32>
    %add3A = arith.addf %mul3A_3, %mul3A_9 : vector<1x8192xf32>
    %reduce_sum3A = vector.shape_cast %add3A : vector<1x8192xf32> to vector<1x1x8192xf32>
    %reduce_sum3A_10 = arith.constant dense<0.000000e+00> : vector<1xf32>
    %reduce_sum3A_11 = vector.multi_reduction <add>, %reduce_sum3A, %reduce_sum3A_10 [1, 2] : vector<1x1x8192xf32> to vector<1xf32>
    %reduce_sum3A_12 = vector.shape_cast %reduce_sum3A_11 : vector<1xf32> to vector<1x1x1xf32>
    %reduce_sum3A_13 = vector.extract %reduce_sum3A_12[0, 0, 0] : f32 from vector<1x1x1xf32>
    %mul3A_14 = arith.constant 512 : i32
    %mul3A_15 = arith.muli %arg0, %mul3A_14 : i32
    %get3A_16 = arith.constant 0 : index
    %get3A_17 = arith.index_cast %mul3A_15 : i32 to index
    %get3A_18 = vector.load %arg1[%get3A_16, %get3A_17] : memref<1x8192xf32, #tpu.memory_space<vmem>>, vector<1x512xf32>
    %mul3A_19 = arith.constant 9.900000e-01 : f32
    %mul3A_20 = vector.broadcast %mul3A_19 : f32 to vector<1x512xf32>
    %mul3A_21 = arith.mulf %get3A_18, %mul3A_20 : vector<1x512xf32>
    %mul3A_22 = arith.constant 512 : i32
    %mul3A_23 = arith.muli %arg0, %mul3A_22 : i32
    %get3A_24 = arith.constant 0 : index
    %get3A_25 = arith.index_cast %mul3A_23 : i32 to index
    %get3A_26 = vector.load %arg2[%get3A_24, %get3A_25] : memref<1x8192xf32, #tpu.memory_space<vmem>>, vector<1x512xf32>
    %mul3A_27 = arith.constant 0.00999999977 : f32
    %mul3A_28 = vector.broadcast %mul3A_27 : f32 to vector<1x512xf32>
    %mul3A_29 = arith.mulf %get3A_26, %mul3A_28 : vector<1x512xf32>
    %add3A_30 = arith.addf %mul3A_21, %mul3A_29 : vector<1x512xf32>
    %add3A_31 = arith.constant 9.99999974E-6 : f32
    %add3A_32 = vector.broadcast %add3A_31 : f32 to vector<1x512xf32>
    %add3A_33 = arith.addf %add3A_30, %add3A_32 : vector<1x512xf32>
    %add3A_34 = arith.constant 0.0819199979 : f32
    %add3A_35 = arith.addf %reduce_sum3A_13, %add3A_34 : f32
    %div3A = vector.broadcast %add3A_35 : f32 to vector<1x512xf32>
    %div3A_36 = arith.divf %add3A_33, %div3A : vector<1x512xf32>
    %mul3A_37 = vector.broadcast %reduce_sum3A_13 : f32 to vector<1x512xf32>
    %mul3A_38 = arith.mulf %div3A_36, %mul3A_37 : vector<1x512xf32>
    %get3A_39 = arith.constant 0 : index
    %get3A_40 = arith.constant 0 : index
    %get3A_41 = vector.load %arg3[%get3A_39, %get3A_40] : memref<256x512xf32, #tpu.memory_space<vmem>>, vector<256x512xf32>
    %transpose3A = tpu.transpose %get3A_41, [1, 0] : vector<256x512xf32> -> vector<512x256xf32>
    %transpose3A_42 = tpu.transpose %mul3A_38, [1, 0] : vector<1x512xf32> -> vector<512x1xf32>
    %mul3A_43 = arith.constant 9.900000e-01 : f32
    %mul3A_44 = vector.broadcast %mul3A_43 : f32 to vector<512x256xf32>
    %mul3A_45 = arith.mulf %transpose3A, %mul3A_44 : vector<512x256xf32>
    %get3A_46 = arith.constant 0 : index
    %get3A_47 = arith.constant 0 : index
    %get3A_48 = vector.load %arg4[%get3A_46, %get3A_47] : memref<512x256xf32, #tpu.memory_space<vmem>>, vector<512x256xf32>
    %mul3A_49 = arith.constant 0.00999999977 : f32
    %mul3A_50 = vector.broadcast %mul3A_49 : f32 to vector<512x256xf32>
    %mul3A_51 = arith.mulf %get3A_48, %mul3A_50 : vector<512x256xf32>
    %add3A_52 = arith.addf %mul3A_45, %mul3A_51 : vector<512x256xf32>
    %div3A_53 = vector.broadcast %transpose3A_42 : vector<512x1xf32> to vector<512x256xf32>
    %div3A_54 = arith.divf %add3A_52, %div3A_53 : vector<512x256xf32>
    %swap3A = arith.constant 0 : index
    %swap3A_55 = arith.constant 0 : index
    %swap3A_56 = vector.load %arg5[%swap3A, %swap3A_55] : memref<512x256xf32, #tpu.memory_space<vmem>>, vector<512x256xf32>
    tpu.vector_store %arg5[%swap3A, %swap3A_55], %div3A_54 {strides = array<i32>} : memref<512x256xf32, #tpu.memory_space<vmem>>, vector<512x256xf32>,
    return
  }
  func.func @transform_0(%arg0: i32) -> (i32, i32) {
    %c0_i32 = arith.constant 0 : i32
    %c0_i32_0 = arith.constant 0 : i32
    %c0_i32_1 = arith.constant 0 : i32
    return %c0_i32, %c0_i32_0 : i32, i32
  }
  func.func @transform_1(%arg0: i32) -> (i32, i32) {
    %c0_i32 = arith.constant 0 : i32
    %c0_i32_0 = arith.constant 0 : i32
    %c0_i32_1 = arith.constant 0 : i32
    return %c0_i32, %c0_i32_0 : i32, i32
  }
  func.func @transform_2(%arg0: i32) -> (i32, i32) {
    %c0_i32 = arith.constant 0 : i32
    %c0_i32_0 = arith.constant 0 : i32
    return %c0_i32, %arg0 : i32, i32
  }
  func.func @transform_3(%arg0: i32) -> (i32, i32) {
    %c0_i32 = arith.constant 0 : i32
    %c0_i32_0 = arith.constant 0 : i32
    return %arg0, %c0_i32 : i32, i32
  }
  func.func @transform_4(%arg0: i32) -> (i32, i32) {
    %c0_i32 = arith.constant 0 : i32
    %c0_i32_0 = arith.constant 0 : i32
    return %arg0, %c0_i32 : i32, i32
  }
}

module attributes {stable_mosaic.version = 14 : i64} {
  func.func @_st_body(%arg0: i32, %arg1: memref<1024x256xf32, #tpu.memory_space<vmem>>, %arg2: memref<1024x256xf32, #tpu.memory_space<vmem>>, %arg3: memref<1024x256xf32, #tpu.memory_space<vmem>>, %arg4: memref<1x1x1xf32, #tpu.memory_space<vmem>>) attributes {dimension_semantics = [#tpu.dimension_semantics<arbitrary>], iteration_bounds = array<i64: 16>, scalar_prefetch = 0 : i64, scratch_operands = 0 : i64, tpu.core_type = #tpu.core_type<tc>, window_params = [{transform_indices = @transform_0, window_bounds = array<i64: 1024, 256>}, {transform_indices = @transform_1, window_bounds = array<i64: 1024, 256>}, {transform_indices = @transform_2, window_bounds = array<i64: 1024, 256>}, {transform_indices = @transform_3, window_bounds = array<i64: 1, 1, 1>}]} {
    %get3A = arith.constant 0 : index
    %get3A_0 = arith.constant 0 : index
    %get3A_1 = vector.load %arg2[%get3A, %get3A_0] : memref<1024x256xf32, #tpu.memory_space<vmem>>, vector<1024x256xf32>
    %get3A_2 = arith.constant 0 : index
    %get3A_3 = arith.constant 0 : index
    %get3A_4 = vector.load %arg1[%get3A_2, %get3A_3] : memref<1024x256xf32, #tpu.memory_space<vmem>>, vector<1024x256xf32>
    %sub3A = arith.subf %get3A_1, %get3A_4 : vector<1024x256xf32>
    %get3A_5 = arith.constant 0 : index
    %get3A_6 = arith.constant 0 : index
    %get3A_7 = vector.load %arg1[%get3A_5, %get3A_6] : memref<1024x256xf32, #tpu.memory_space<vmem>>, vector<1024x256xf32>
    %add3A = arith.addf %get3A_7, %sub3A : vector<1024x256xf32>
    %swap3A = arith.constant 0 : index
    %swap3A_8 = arith.constant 0 : index
    %swap3A_9 = vector.load %arg3[%swap3A, %swap3A_8] : memref<1024x256xf32, #tpu.memory_space<vmem>>, vector<1024x256xf32>
    tpu.vector_store %arg3[%swap3A, %swap3A_8], %add3A {strides = array<i32>} : memref<1024x256xf32, #tpu.memory_space<vmem>>, vector<1024x256xf32>,
    %broadcast_in_dim3A = arith.constant 0.000000e+00 : f32
    %broadcast_in_dim3A_10 = vector.broadcast %broadcast_in_dim3A : f32 to vector<1x1x1xf32>
    %mul3A = arith.mulf %sub3A, %sub3A : vector<1024x256xf32>
    %reduce_sum3A = vector.shape_cast %mul3A : vector<1024x256xf32> to vector<1x1024x256xf32>
    %reduce_sum3A_11 = arith.constant dense<0.000000e+00> : vector<1xf32>
    %reduce_sum3A_12 = vector.multi_reduction <add>, %reduce_sum3A, %reduce_sum3A_11 [1, 2] : vector<1x1024x256xf32> to vector<1xf32>
    %reduce_sum3A_13 = vector.shape_cast %reduce_sum3A_12 : vector<1xf32> to vector<1x1x1xf32>
    %reduce_sum3A_14 = vector.extract %reduce_sum3A_13[0, 0, 0] : f32 from vector<1x1x1xf32>
    %div3A = arith.constant 2.621440e+05 : f32
    %div3A_15 = arith.divf %reduce_sum3A_14, %div3A : f32
    %add3A_16 = vector.broadcast %div3A_15 : f32 to vector<1x1x1xf32>
    %add3A_17 = arith.addf %broadcast_in_dim3A_10, %add3A_16 : vector<1x1x1xf32>
    %swap3A_18 = arith.constant 0 : index
    %swap3A_19 = arith.constant 0 : index
    %swap3A_20 = arith.constant 0 : index
    %swap3A_21 = vector.load %arg4[%swap3A_18, %swap3A_19, %swap3A_20] : memref<1x1x1xf32, #tpu.memory_space<vmem>>, vector<1x1x1xf32>
    tpu.vector_store %arg4[%swap3A_18, %swap3A_19, %swap3A_20], %add3A_17 {strides = array<i32>} : memref<1x1x1xf32, #tpu.memory_space<vmem>>, vector<1x1x1xf32>,
    return
  }
  func.func @transform_0(%arg0: i32) -> (i32, i32) {
    %c0_i32 = arith.constant 0 : i32
    %c0_i32_0 = arith.constant 0 : i32
    return %arg0, %c0_i32 : i32, i32
  }
  func.func @transform_1(%arg0: i32) -> (i32, i32) {
    %c0_i32 = arith.constant 0 : i32
    %c0_i32_0 = arith.constant 0 : i32
    return %arg0, %c0_i32 : i32, i32
  }
  func.func @transform_2(%arg0: i32) -> (i32, i32) {
    %c0_i32 = arith.constant 0 : i32
    %c0_i32_0 = arith.constant 0 : i32
    return %arg0, %c0_i32 : i32, i32
  }
  func.func @transform_3(%arg0: i32) -> (i32, i32, i32) {
    %c0_i32 = arith.constant 0 : i32
    %c0_i32_0 = arith.constant 0 : i32
    %c0_i32_1 = arith.constant 0 : i32
    return %arg0, %c0_i32, %c0_i32_0 : i32, i32, i32
  }
}

</mosaic_0001>

<sc_bundles>
// kernel: kernel.7.cloned.1.call-start
scs
__scs_entry_jumppad:
0x0: {  	(pc) =	sbr.rel $0x88, $3  }
0x1: {  	(tag) =	ssettag $0x0;
	lr =	simm.s32 $0x1  }
0x2: {  	[smem:$0x3F9D] =	sst lr;
	_ =	strace $0xD0000000  }
0x3: {  	_ = 	snop  }
0x4: {  	_ = 	snop  }
0x5: {  	_ = 	snop  }
0x6: {  	_ = 	snop  }
0x7: {  	_ = 	snop  }
__scs_overlays_trampoline_lowered:
0x8: {  	[smem:$0x3FAC] =	sst s0  }
0x9: {  	[smem:$0x3FAD] =	sst s1  }
0xa: {  	[smem:$0x3FAE] =	sst s2  }
0xb: {  	[smem:$0x3FAF] =	sst s3  }
0xc: {  	[smem:$0x3FB0] =	sst s4  }
0xd: {  	[smem:$0x3FB1] =	sst s5  }
0xe: {  	[smem:$0x3FB2] =	sst s6  }
0xf: {  	[smem:$0x3FB3] =	sst s7  }
0x10: {  	[smem:$0x3FB4] =	sst s8  }
0x11: {  	[smem:$0x3FB5] =	sst s9;
	s0 =	simm.s32 @!p0 $0x0  }
0x12: {  	s1 =	sld [smem:$0x3F9B];
	s0 =	simm.s32 @p0 $0x1  }
0x13: {  	[smem:$0x3FB6] =	sst s0;
	s0 =	simm.s32 @!p1 $0x0  }
0x14: {  	s2 =	sld [smem:$0x3F9A];
	s0 =	simm.s32 @p1 $0x1  }
0x15: {  	[smem:$0x3FB7] =	sst s0;
	s0 =	simm.s32 @!p2 $0x0  }
0x16: {  	s3 =	sld [smem:$0x3FDB];
	s0 =	simm.s32 @p2 $0x1  }
0x17: {  	s4 =	simm.s32 $0x1BF5;
	[smem:$0x3FB9] =	sst s0  }
0x18: {  	s0 =	sld [smem:$0x3F9C];
	_ =	swait.ge [sflag:s4], $0x0  }
0x19: {  	s7 =	sld [smem:$0x3F9D]  }
0x1a: {  	s8 =	sadd.s32 $0xFFFFE003, lr  }
0x1b: {  	s9 =	sadd.s32 $0xFFFFFEF7, lr;
	s5 =	simm.s32 $0xFFFFFFFF;
	p2 =	slt.u32 s8, $0xFFFFF086  }
0x1c: {  	p1 =	slt.u32 s9, $0xF7A;
	s5 =	simm.s32 @!p2 $0x0  }
0x1d: {  	s5 =	simm.s32 @p1 $0x1;
	p0 =	seq.s32 s7, s2  }
0x1e: {  	s7 =	smul.u32 @!p0 $0xF7A, s2;
	p2 =	seq.s32 @!p0 s5, $0x0  }
0x1f: {  	s9 =	smul.u32 $0xF7A, s1;
	s8 =	simm.s32 @!p0 $0x1BF5;
	p2 =	por !p2, p0  }
0x20: {  	[sflag:s8] =	ssyncset.s32 @!p0 $0xFFFFF086;
	s6 =	sadd.s32 @!p0 s3, s7;
	s7 =	simm.s32 @!p0 $0x108  }
0x21: {  	s3 =	sadd.s32 s3, s9;
	s6 =	sadd.s32 @!p0 $0x88, s6;
	s7 =	simm.s32 @p2 $0x1082  }
0x22: {  	[simem:s7], [sflag:s8] =	dma.local @!p0 [hbm:s6], $0xF7A  }
0x23: {  	s9 =	sor.u32 $0xD0000000, s2;
	s6 =	simm.s32 $0x108;
	_ =	swait.ge @!p0 [sflag:s8], $0x0  }
0x24: {  	s3 =	sadd.s32 $0x88, s3;
	s6 =	simm.s32 @!p1 $0x1082;
	[sflag:s4] =	ssyncset.s32 $0xFFFFF086  }
0x25: {  	[simem:s6], [sflag:s4] =	dma.local [hbm:s3], $0xF7A  }
0x26: {  	[smem:$0x3F9D] =	sst s1;
	(tag) =	ssettag s2;
	_ =	strace s9  }
0x27: {  	s1 =	sld [smem:$0x3FAD]  }
0x28: {  	s2 =	sld [smem:$0x3FAE]  }
0x29: {  	s4 =	sld [smem:$0x3FB0]  }
0x2a: {  	p0 =	seq.s32 s5, $0x0;
	s5 =	sld [smem:$0x3FB1]  }
0x2b: {  	s6 =	sld [smem:$0x3FB2]  }
0x2c: {  	s7 =	sld [smem:$0x3FB3]  }
0x2d: {  	s3 =	simm.s32 $0x108;
	s8 =	sld [smem:$0x3FB4]  }
0x2e: {  	s3 =	simm.s32 @!p0 $0x1082;
	s9 =	sld [smem:$0x3FB5]  }
0x2f: {  	lr =	sadd.s32 s0, s3;
	s0 =	sld [smem:$0x3FAC]  }
0x30: {  	s3 =	sld [smem:$0x3FAF]  }
0x31: {  	[smem:$0x3FB8] =	sst s10  }
0x32: {  	s10 =	sld [smem:$0x3FB6];
	_ =	sdelay $0x3  }
0x33: {  	p0 =	seq.s32 s10, $0x1;
	s10 =	sld [smem:$0x3FB8];
	_ =	sdelay $0x3  }
0x34: {  	[smem:$0x3FB8] =	sst s10  }
0x35: {  	s10 =	sld [smem:$0x3FB7];
	_ =	sdelay $0x3  }
0x36: {  	p1 =	seq.s32 s10, $0x1;
	s10 =	sld [smem:$0x3FB8];
	_ =	sdelay $0x3  }
0x37: {  	[smem:$0x3FB8] =	sst s10  }
0x38: {  	s10 =	sld [smem:$0x3FB9]  }
0x39: {  	_ = 	snop;
	(pc) =	sbr.ind lr, $3  }
0x3a: {  	_ = 	snop  }
0x3b: {  	_ = 	snop  }
0x3c: {  	p2 =	seq.s32 s10, $0x1;
	s10 =	sld [smem:$0x3FB8]  }
0x3d: {  	_ =	shalt  }
0x3e: {  	_ =	shalt  }
0x3f: {  	_ =	shalt  }
0x40: {  	_ =	shalt  }
0x41: {  	_ =	shalt  }
0x42: {  	_ =	shalt  }
0x43: {  	_ =	shalt  }
0x44: {  	_ =	shalt  }
0x45: {  	_ =	shalt  }
0x46: {  	_ =	shalt  }
0x47: {  	_ =	shalt  }
0x48: {  	_ =	shalt  }
0x49: {  	_ =	shalt  }
0x4a: {  	_ =	shalt  }
0x4b: {  	_ =	shalt  }
0x4c: {  	_ =	shalt  }
0x4d: {  	_ =	shalt  }
0x4e: {  	_ =	shalt  }
0x4f: {  	_ =	shalt  }
0x50: {  	_ =	shalt  }
0x51: {  	_ =	shalt  }
0x52: {  	_ =	shalt  }
0x53: {  	_ =	shalt  }
0x54: {  	_ =	shalt  }
0x55: {  	_ =	shalt  }
0x56: {  	_ =	shalt  }
0x57: {  	_ =	shalt  }
0x58: {  	_ =	shalt  }
0x59: {  	_ =	shalt  }
0x5a: {  	_ =	shalt  }
0x5b: {  	_ =	shalt  }
0x5c: {  	_ =	shalt  }
0x5d: {  	_ =	shalt  }
0x5e: {  	_ =	shalt  }
0x5f: {  	_ =	shalt  }
0x60: {  	_ =	shalt  }
0x61: {  	_ =	shalt  }
0x62: {  	_ =	shalt  }
0x63: {  	_ =	shalt  }
0x64: {  	_ =	shalt  }
0x65: {  	_ =	shalt  }
0x66: {  	_ =	shalt  }
0x67: {  	_ =	shalt  }
0x68: {  	_ =	shalt  }
0x69: {  	_ =	shalt  }
0x6a: {  	_ =	shalt  }
0x6b: {  	_ =	shalt  }
0x6c: {  	_ =	shalt  }
0x6d: {  	_ =	shalt  }
0x6e: {  	_ =	shalt  }
0x6f: {  	_ =	shalt  }
0x70: {  	_ =	shalt  }
0x71: {  	_ =	shalt  }
0x72: {  	_ =	shalt  }
0x73: {  	_ =	shalt  }
0x74: {  	_ =	shalt  }
0x75: {  	_ =	shalt  }
0x76: {  	_ =	shalt  }
0x77: {  	_ =	shalt  }
0x78: {  	_ =	shalt  }
0x79: {  	_ =	shalt  }
0x7a: {  	_ =	shalt  }
0x7b: {  	_ =	shalt  }
0x7c: {  	_ =	shalt  }
0x7d: {  	_ =	shalt  }
0x7e: {  	_ =	shalt  }
0x7f: {  	_ =	shalt  }
0x80: {  	_ =	shalt  }
0x81: {  	_ =	shalt  }
0x82: {  	_ =	shalt  }
0x83: {  	_ =	shalt  }
0x84: {  	_ =	shalt  }
0x85: {  	_ =	shalt  }
0x86: {  	_ =	shalt  }
0x87: {  	_ =	shalt  }
.Lfunc_end0:
.L_simem_size_0:
called_computation_lowered:
.L_overlay_start_0:
0x88: {  	s2 =	sld [smem:$0x3FD9]  }
0x89: {  	s3 =	sld [smem:$0x3FFE];
	_ =	sdelay $0x1  }
0x8a: {  	s1 =	srdreg.scid  }
0x8b: {  	s0 =	sand.u32 $0x1, s1  }
0x8c: {  	s14 =	sshll.u32 s0, $0xA;
	s2 =	sadd.s32 s3, s2  }
0x8d: {  	s2 =	sadd.s32 s2, s14  }
0x8e: {  	[smem:$0x3FC4] =	sst s2  }
0x8f: {  	_ = 	snop  }
0x90: {  	s2 =	sld [smem:$0x3FD0];
	_ =	sdelay $0x2  }
0x91: {  	s15 =	simm.s32 $0xA;
	s4 =	simm.s32 $0x10  }
0x92: {  	[smem:s4], [sflag:s15] =	dma.local [hbm:s2], $0x1  }
0x93: {  	_ =	swait.eq [sflag:s15], $0x1  }
0x94: {  	[sflag:s15] =	ssyncset.done $0x0  }
0x95: {  	[sflag:s15] =	ssyncadd.s32 $0xFFFFFFFF  }
0x96: {  	s16 =	sld [smem:$0x10];
	(tm) =	ssettm $0x1  }
0x97: {  	s17 =	sld [smem:$0x3FFB];
	_ =	sdelay $0x3  }
0x98: {  	_ =	strace s17  }
0x99: {  	s3 =	sld [smem:$0x3FFC];
	_ =	sdelay $0x3  }
0x9a: {  	_ =	strace s3  }
0x9b: {  	s3 =	sld [smem:$0x3FFD];
	_ =	sdelay $0x3  }
0x9c: {  	_ =	strace s3  }
0x9d: {  	_ =	strace $0x8FFFFFFF  }
0x9e: {  	s18 =	sld [smem:$0x3FDB];
	_ =	sdelay $0x1  }
0x9f: {  	s19 =	simm.s32 $_scs_section_size  }
0xa0: {  	s5 =	simm.s32 $_size__tile_overlayer_lowered;
	s6 =	simm.s32 $_tile_overlayer_lowered  }
0xa1: {  	s22 =	simm.s32 $0x1BFF;
	s21 =	sshll.u32 s6, $0x1;
	s3 =	sadd.s32 s19, s18  }
0xa2: {  	s7 =	simm.s32 $0x0;
	s20 =	sshll.u32 s5, $0x1;
	s5 =	sadd.s32 s21, s3  }
0xa3: {  	[timem:s7], [sflag:s22] =	dma.local [hbm:s5], s20  }
0xa4: {  	_ =	swait.ge [sflag:s22], s20  }
0xa5: {  	s4 =	ssub.s32 $0x0, s20;
	[sflag:s22] =	ssyncset.done $0x0  }
0xa6: {  	[sflag:s22] =	ssyncadd.s32 s4;
	_ =	sdelay $0x1  }
0xa7: {  	s23 =	simm.s32 $0x1B8B  }
0xa8: {  	_ =	swait.ge [sflag:s23], $0x1  }
0xa9: {  	[sflag:s23] =	ssyncset.done $0x0  }
0xaa: {  	s25 =	simm.s32 $0x1B8E;
	s24 =	sld [smem:$0x3FFE];
	[sflag:s23] =	ssyncadd.s32 $0xFFFFFFFF  }
0xab: {  	s26 =	simm.s32 $execute0_lowered;
	[smem:$0x3FD2] =	sst s25  }
0xac: {  	s5 =	sshll.u32 s26, $0x1;
	_ =	strace $0x80000046;
	[dreg:$0x1] =	wrdreg $0xFFFFFFFF  }
0xad: {  	s28 =	simm.s32 $_size_execute0_lowered;
	s3 =	sadd.s32 s3, s5;
	[dreg:$0x0] =	wrdreg $0x0  }
0xae: {  	s5 =	sshll.u32 s28, $0x1;
	[dreg:$0x2] =	wrdreg s3  }
0xaf: {  	[dreg:$0x3] =	wrdreg s5  }
0xb0: {  	[dreg:$0x4] =	wrdreg $0xC0  }
0xb1: {  	_ =	task [dreg:s7], $0x5FFFF  }
0xb2: {  	[dreg:$0x1] =	wrdreg $0xFFFFFFFF  }
0xb3: {  	[dreg:$0x0] =	wrdreg $0x60  }
0xb4: {  	[dreg:$0x2] =	wrdreg s16  }
0xb5: {  	[dreg:$0x3] =	wrdreg s24  }
0xb6: {  	[dreg:$0x4] =	wrdreg $0x9  }
0xb7: {  	_ =	task.clear_ibuf [dreg:s7], $0x5FFFF;
	_ =	strace $0x90000046  }
0xb8: {  	s29 =	simm.s32 $0x9;
	_ =	strace $0x80000048  }
0xb9: {  	_ =	swait.ge [sflag:s29], $0x1  }
0xba: {  	[sflag:s29] =	ssyncadd.s32 $0xFFFFFFFF  }
0xbb: {  	_ =	strace $0x90000048  }
0xbc: {  	_ =	sfence  }
0xbd: {  	s30 =	sld [smem:$0x0];
	_ =	sdelay $0x2  }
0xbe: {  	s31 =	sshll.u32 s1, $0xD;
	s1 =	sshrl.u32 s1, $0x2  }
0xbf: {  	s3 =	sand.u32 $0x4000, s31;
	s1 =	sadd.s32 s1, s30  }
0xc0: {  	s0 =	sor.u32 s3, s0;
	s1 =	sshll.u32 s1, $0x11  }
0xc1: {  	s0 =	sor.u32 s1, s0  }
0xc2: {  	s0 =	sadd.s32 $0x8F2B, s0  }
0xc3: {  	[sflag:s0] =	ssyncadd.remote.s32 $0x1  }
0xc4: {  	_ =	sfence.sel $0xFFFF  }
0xc5: {  	[dreg:$0x0] =	wrdreg $0xFFFFFFFF;
	(pc) =	sbr.abs _section_cstart, $3  }
0xc6: {  	[dreg:$0x1] =	wrdreg $0xFFFFFFFF  }
0xc7: {  	_ =	task.clear_ibuf [dreg:s7], $0x2FFFF;
	_ =	strace $0x9FFFFFFF  }
0xc8: {  	(tm) =	ssettm $0x7FFFFFFF  }
0xc9: {  	_ =	shalt  }
tec
execute0_lowered:
.L_overlay_start_1:
0x0: {  	(tag) =	ssettag $0x1  }
0x1: {  	s1 =	rddreg [dreg:$0x0]  }
0x2: {  	s0 =	rddreg [dreg:$0x1]  }
0x3: {  	s3 =	simm.s32 $0x0;
	s2 =	srdreg.scid;
	s4 =	stileid.u32  }
0x4: {  	s12 =	simm.s32 $0x1;
	s14 =	simm.s32 $0x900;
	s15 =	simm.s32 $0x1100  }
0x5: {  	s16 =	simm.s32 $0x1900;
	s17 =	simm.s32 $0x2100;
	s18 =	simm.s32 $0x2900  }
0x6: {  	s19 =	simm.s32 $0x3100;
	s20 =	simm.s32 $0x3900;
	s21 =	simm.s32 $0x4100  }
0x7: {  	s22 =	simm.s32 $0x4900;
	s23 =	simm.s32 $0x5100;
	s28 =	simm.s32 $0x7100  }
0x8: {  	s29 =	simm.s32 $0x7900;
	s30 =	simm.s32 $0x8100;
	s31 =	simm.s32 $0x8900  }
0x9: {  	s9 =	simm.s32 $0xB100;
	s10 =	simm.s32 $0xB900;
	s11 =	simm.s32 $0xC100  }
0xa: {  	[smem:$0x7FF] =	sst s3;
	s2 =	sand.u32 $0x1, s2;
	s4 =	sshll.u32 s4, $0xA  }
0xb: {  	s6 =	sadd.s32 $0x1000, s0;
	s0 =	sadd.s32 $0x1800, s0;
	s5 =	sshll.u32 s2, $0x9  }
0xc: {  	_ =	strace $0x80000047;
	s2 =	ssub.s32 $0x2, s2;
	s4 =	sor.u32 s5, s4  }
0xd: {  	s24 =	sshrl.u32 s2, $0x1;
	s5 =	simm.s32 $0x2;
	s7 =	sshrl.u32 s4, $0x3  }
0xe: {  	s8 =	sshll.u32 s4, $0x5;
	s4 =	sor.u32 $0x100, s4;
	s2 =	ssub.s32 s2, s24  }
0xf: {  	s24 =	simm.s32 $0x5900;
	s7 =	sadd.s32 s6, s7;
	s25 =	sadd.s32 s0, s8  }
0x10: {  	s26 =	sshrl.u32 s4, $0x3;
	s4 =	sshll.u32 s4, $0x5;
	[dreg:$0x3] =	wrdreg s7  }
0x11: {  	s8 =	simm.s32 $0xA900;
	[dreg:$0x4] =	wrdreg s25;
	s6 =	sadd.s32 s6, s26  }
0x12: {  	v2 =	vlaneseq.u32;
	s0 =	sadd.s32 s0, s4;
	s4 =	smax.u32 s2, $0x1;
	s25 =	simm.s32 $0x6100  }
0x13: {  	vm0 =	vmmov $0xffff;
	v1 =	vshrl.u32 v2, $0x3;
	s26 =	simm.s32 $0x6900;
	s2 =	simm.s32 $0x9900;
	[dreg:$0x5] =	wrdreg s6  }
0x14: {  	v0 =	vand.u32 $0x7, v2;
	v2 =	vor.u32 $0x8, v2;
	v1 =	vmul.u32 $0x8, v1;
	s7 =	simm.s32 $0xA100;
	[dreg:$0x6] =	wrdreg s0;
	s6 =	simm.s32 $0xC900  }
.LBB2_1:
0x15: {  	s13 =	rddreg [dreg:$0x3]  }
0x16: {  	[tilespmem:s3], [sflag:$0x2] =	stream.linear.gather [hbm4b:s13+s3], $0x100, $0x38;
	[tilespmem:$0x10100] =	vst v63  }
0x17: {  	_ =	swait.ge [sflag:s5], $0x100  }
0x18: {  	[sflag:s5] =	ssyncset.done $0x0  }
0x19: {  	[sflag:s5] =	ssyncadd.s32 $0xFFFFFF00  }
0x1a: {  	v3 =	vld [tilespmem:$0x0];
	_ =	sdelay $0x4  }
0x1b: {  	v4 =	vshll.u32 v3, $0x1  }
0x1c: {  	v3 =	vand.u32 $0x7, v3;
	v4 =	vand.u32 $0xFFFFFFF0, v4  }
0x1d: {  	v3 =	vor.u32 v3, v4  }
0x1e: {  	v4 =	vperm.xlane v3, v0;
	_ =	sdelay $0x1  }
0x1f: {  	v3 =	vperm.xlane v3, v2;
	v4 =	vadd.s32 v1, v4;
	_ =	sdelay $0x1  }
0x20: {  	v3 =	vadd.s32 v1, v3;
	_ =	sdelay $0x1  }
0x21: {  	s0 =	simm.s32 $0x100  }
0x22: {  	[tilespmem:s0], [sflag:$0x1] =	stream.indirect_vreg.gather [hbm4b:s1+s3], $0x80, v4, vm0, $0xb8;
	[tilespmem:$0x10100] =	vst v63  }
0x23: {  	_ = 	snop  }
0x24: {  	[tilespmem:s14], [sflag:$0x1] =	stream.indirect_vreg.gather [hbm4b:s1+s3], $0x80, v3, vm0, $0xb8;
	[tilespmem:$0x10100] =	vst v63  }
0x25: {  	v3 =	vld [tilespmem:$0x10];
	_ =	sdelay $0x4  }
0x26: {  	v33 =	vshll.u32 v3, $0x1  }
0x27: {  	v3 =	vand.u32 $0x7, v3;
	v4 =	vand.u32 $0xFFFFFFF0, v33  }
0x28: {  	v3 =	vor.u32 v3, v4  }
0x29: {  	v4 =	vperm.xlane v3, v0;
	_ =	sdelay $0x1  }
0x2a: {  	v3 =	vperm.xlane v3, v2;
	v4 =	vadd.s32 v1, v4;
	_ =	sdelay $0x1  }
0x2b: {  	v3 =	vadd.s32 v1, v3;
	_ =	sdelay $0x2  }
0x2c: {  	[tilespmem:s15], [sflag:$0x1] =	stream.indirect_vreg.gather [hbm4b:s1+s3], $0x80, v4, vm0, $0xb8;
	[tilespmem:$0x10100] =	vst v63  }
0x2d: {  	_ = 	snop  }
0x2e: {  	[tilespmem:s16], [sflag:$0x1] =	stream.indirect_vreg.gather [hbm4b:s1+s3], $0x80, v3, vm0, $0xb8;
	[tilespmem:$0x10100] =	vst v63  }
0x2f: {  	v3 =	vld [tilespmem:$0x20];
	_ =	sdelay $0x4  }
0x30: {  	v34 =	vshll.u32 v3, $0x1  }
0x31: {  	v3 =	vand.u32 $0x7, v3;
	v4 =	vand.u32 $0xFFFFFFF0, v34  }
0x32: {  	v3 =	vor.u32 v3, v4  }
0x33: {  	v4 =	vperm.xlane v3, v0;
	_ =	sdelay $0x1  }
0x34: {  	v3 =	vperm.xlane v3, v2;
	v4 =	vadd.s32 v1, v4;
	_ =	sdelay $0x1  }
0x35: {  	v3 =	vadd.s32 v1, v3;
	_ =	sdelay $0x2  }
0x36: {  	[tilespmem:s17], [sflag:$0x1] =	stream.indirect_vreg.gather [hbm4b:s1+s3], $0x80, v4, vm0, $0xb8;
	[tilespmem:$0x10100] =	vst v63  }
0x37: {  	_ = 	snop  }
0x38: {  	[tilespmem:s18], [sflag:$0x1] =	stream.indirect_vreg.gather [hbm4b:s1+s3], $0x80, v3, vm0, $0xb8;
	[tilespmem:$0x10100] =	vst v63  }
0x39: {  	v3 =	vld [tilespmem:$0x30];
	_ =	sdelay $0x4  }
0x3a: {  	v35 =	vshll.u32 v3, $0x1  }
0x3b: {  	v3 =	vand.u32 $0x7, v3;
	v4 =	vand.u32 $0xFFFFFFF0, v35  }
0x3c: {  	v3 =	vor.u32 v3, v4  }
0x3d: {  	v4 =	vperm.xlane v3, v0;
	_ =	sdelay $0x1  }
0x3e: {  	v3 =	vperm.xlane v3, v2;
	v4 =	vadd.s32 v1, v4;
	_ =	sdelay $0x1  }
0x3f: {  	v3 =	vadd.s32 v1, v3;
	_ =	sdelay $0x2  }
0x40: {  	[tilespmem:s19], [sflag:$0x1] =	stream.indirect_vreg.gather [hbm4b:s1+s3], $0x80, v4, vm0, $0xb8;
	[tilespmem:$0x10100] =	vst v63  }
0x41: {  	_ = 	snop  }
0x42: {  	[tilespmem:s20], [sflag:$0x1] =	stream.indirect_vreg.gather [hbm4b:s1+s3], $0x80, v3, vm0, $0xb8;
	[tilespmem:$0x10100] =	vst v63  }
0x43: {  	v3 =	vld [tilespmem:$0x40];
	_ =	sdelay $0x4  }
0x44: {  	v36 =	vshll.u32 v3, $0x1  }
0x45: {  	v3 =	vand.u32 $0x7, v3;
	v4 =	vand.u32 $0xFFFFFFF0, v36  }
0x46: {  	v3 =	vor.u32 v3, v4  }
0x47: {  	v4 =	vperm.xlane v3, v0;
	_ =	sdelay $0x1  }
0x48: {  	v3 =	vperm.xlane v3, v2;
	v4 =	vadd.s32 v1, v4;
	_ =	sdelay $0x1  }
0x49: {  	v3 =	vadd.s32 v1, v3;
	_ =	sdelay $0x2  }
0x4a: {  	[tilespmem:s21], [sflag:$0x1] =	stream.indirect_vreg.gather [hbm4b:s1+s3], $0x80, v4, vm0, $0xb8;
	[tilespmem:$0x10100] =	vst v63  }
0x4b: {  	_ = 	snop  }
0x4c: {  	[tilespmem:s22], [sflag:$0x1] =	stream.indirect_vreg.gather [hbm4b:s1+s3], $0x80, v3, vm0, $0xb8;
	[tilespmem:$0x10100] =	vst v63  }
0x4d: {  	v3 =	vld [tilespmem:$0x50];
	_ =	sdelay $0x4  }
0x4e: {  	v37 =	vshll.u32 v3, $0x1  }
0x4f: {  	v3 =	vand.u32 $0x7, v3;
	v4 =	vand.u32 $0xFFFFFFF0, v37  }
0x50: {  	v3 =	vor.u32 v3, v4  }
0x51: {  	v4 =	vperm.xlane v3, v0;
	_ =	sdelay $0x1  }
0x52: {  	v3 =	vperm.xlane v3, v2;
	v4 =	vadd.s32 v1, v4;
	_ =	sdelay $0x1  }
0x53: {  	v3 =	vadd.s32 v1, v3;
	_ =	sdelay $0x2  }
0x54: {  	[tilespmem:s23], [sflag:$0x1] =	stream.indirect_vreg.gather [hbm4b:s1+s3], $0x80, v4, vm0, $0xb8;
	[tilespmem:$0x10100] =	vst v63  }
0x55: {  	_ = 	snop  }
0x56: {  	[tilespmem:s24], [sflag:$0x1] =	stream.indirect_vreg.gather [hbm4b:s1+s3], $0x80, v3, vm0, $0xb8;
	[tilespmem:$0x10100] =	vst v63  }
0x57: {  	v3 =	vld [tilespmem:$0x60];
	_ =	sdelay $0x4  }
0x58: {  	v38 =	vshll.u32 v3, $0x1  }
0x59: {  	v3 =	vand.u32 $0x7, v3;
	v4 =	vand.u32 $0xFFFFFFF0, v38  }
0x5a: {  	v3 =	vor.u32 v3, v4  }
0x5b: {  	v4 =	vperm.xlane v3, v0;
	_ =	sdelay $0x1  }
0x5c: {  	v3 =	vperm.xlane v3, v2;
	v4 =	vadd.s32 v1, v4;
	_ =	sdelay $0x1  }
0x5d: {  	v3 =	vadd.s32 v1, v3;
	_ =	sdelay $0x2  }
0x5e: {  	[tilespmem:s25], [sflag:$0x1] =	stream.indirect_vreg.gather [hbm4b:s1+s3], $0x80, v4, vm0, $0xb8;
	[tilespmem:$0x10100] =	vst v63  }
0x5f: {  	_ = 	snop  }
0x60: {  	[tilespmem:s26], [sflag:$0x1] =	stream.indirect_vreg.gather [hbm4b:s1+s3], $0x80, v3, vm0, $0xb8;
	[tilespmem:$0x10100] =	vst v63  }
0x61: {  	v3 =	vld [tilespmem:$0x70];
	_ =	sdelay $0x4  }
0x62: {  	v39 =	vshll.u32 v3, $0x1  }
0x63: {  	v3 =	vand.u32 $0x7, v3;
	v4 =	vand.u32 $0xFFFFFFF0, v39  }
0x64: {  	v3 =	vor.u32 v3, v4  }
0x65: {  	v4 =	vperm.xlane v3, v0;
	_ =	sdelay $0x1  }
0x66: {  	v3 =	vperm.xlane v3, v2;
	v4 =	vadd.s32 v1, v4;
	_ =	sdelay $0x1  }
0x67: {  	v3 =	vadd.s32 v1, v3;
	_ =	sdelay $0x2  }
0x68: {  	[tilespmem:s28], [sflag:$0x1] =	stream.indirect_vreg.gather [hbm4b:s1+s3], $0x80, v4, vm0, $0xb8;
	[tilespmem:$0x10100] =	vst v63  }
0x69: {  	_ = 	snop  }
0x6a: {  	[tilespmem:s29], [sflag:$0x1] =	stream.indirect_vreg.gather [hbm4b:s1+s3], $0x80, v3, vm0, $0xb8;
	[tilespmem:$0x10100] =	vst v63  }
0x6b: {  	v3 =	vld [tilespmem:$0x80];
	_ =	sdelay $0x4  }
0x6c: {  	v40 =	vshll.u32 v3, $0x1  }
0x6d: {  	v3 =	vand.u32 $0x7, v3;
	v4 =	vand.u32 $0xFFFFFFF0, v40  }
0x6e: {  	v3 =	vor.u32 v3, v4  }
0x6f: {  	v4 =	vperm.xlane v3, v0;
	_ =	sdelay $0x1  }
0x70: {  	v3 =	vperm.xlane v3, v2;
	v4 =	vadd.s32 v1, v4;
	_ =	sdelay $0x1  }
0x71: {  	v3 =	vadd.s32 v1, v3;
	_ =	sdelay $0x2  }
0x72: {  	[tilespmem:s30], [sflag:$0x1] =	stream.indirect_vreg.gather [hbm4b:s1+s3], $0x80, v4, vm0, $0xb8;
	[tilespmem:$0x10100] =	vst v63  }
0x73: {  	_ = 	snop  }
0x74: {  	[tilespmem:s31], [sflag:$0x1] =	stream.indirect_vreg.gather [hbm4b:s1+s3], $0x80, v3, vm0, $0xb8;
	[tilespmem:$0x10100] =	vst v63  }
0x75: {  	v3 =	vld [tilespmem:$0x90];
	_ =	sdelay $0x4  }
0x76: {  	v41 =	vshll.u32 v3, $0x1  }
0x77: {  	v3 =	vand.u32 $0x7, v3;
	v4 =	vand.u32 $0xFFFFFFF0, v41  }
0x78: {  	v3 =	vor.u32 v3, v4  }
0x79: {  	v4 =	vperm.xlane v3, v0;
	_ =	sdelay $0x1  }
0x7a: {  	v3 =	vperm.xlane v3, v2;
	v4 =	vadd.s32 v1, v4;
	_ =	sdelay $0x1  }
0x7b: {  	v3 =	vadd.s32 v1, v3;
	_ =	sdelay $0x1  }
0x7c: {  	s13 =	simm.s32 $0x9100  }
0x7d: {  	[tilespmem:s13], [sflag:$0x1] =	stream.indirect_vreg.gather [hbm4b:s1+s3], $0x80, v4, vm0, $0xb8;
	[tilespmem:$0x10100] =	vst v63  }
0x7e: {  	_ = 	snop  }
0x7f: {  	[tilespmem:s2], [sflag:$0x1] =	stream.indirect_vreg.gather [hbm4b:s1+s3], $0x80, v3, vm0, $0xb8;
	[tilespmem:$0x10100] =	vst v63  }
0x80: {  	v3 =	vld [tilespmem:$0xA0];
	_ =	sdelay $0x4  }
0x81: {  	v42 =	vshll.u32 v3, $0x1  }
0x82: {  	v3 =	vand.u32 $0x7, v3;
	v4 =	vand.u32 $0xFFFFFFF0, v42  }
0x83: {  	v3 =	vor.u32 v3, v4  }
0x84: {  	v4 =	vperm.xlane v3, v0;
	_ =	sdelay $0x1  }
0x85: {  	v3 =	vperm.xlane v3, v2;
	v4 =	vadd.s32 v1, v4;
	_ =	sdelay $0x1  }
0x86: {  	v3 =	vadd.s32 v1, v3;
	_ =	sdelay $0x2  }
0x87: {  	[tilespmem:s7], [sflag:$0x1] =	stream.indirect_vreg.gather [hbm4b:s1+s3], $0x80, v4, vm0, $0xb8;
	[tilespmem:$0x10100] =	vst v63  }
0x88: {  	_ = 	snop  }
0x89: {  	[tilespmem:s8], [sflag:$0x1] =	stream.indirect_vreg.gather [hbm4b:s1+s3], $0x80, v3, vm0, $0xb8;
	[tilespmem:$0x10100] =	vst v63  }
0x8a: {  	v3 =	vld [tilespmem:$0xB0];
	_ =	sdelay $0x4  }
0x8b: {  	v43 =	vshll.u32 v3, $0x1  }
0x8c: {  	v3 =	vand.u32 $0x7, v3;
	v4 =	vand.u32 $0xFFFFFFF0, v43  }
0x8d: {  	v3 =	vor.u32 v3, v4  }
0x8e: {  	v4 =	vperm.xlane v3, v0;
	_ =	sdelay $0x1  }
0x8f: {  	v3 =	vperm.xlane v3, v2;
	v4 =	vadd.s32 v1, v4;
	_ =	sdelay $0x1  }
0x90: {  	v3 =	vadd.s32 v1, v3;
	_ =	sdelay $0x2  }
0x91: {  	[tilespmem:s9], [sflag:$0x1] =	stream.indirect_vreg.gather [hbm4b:s1+s3], $0x80, v4, vm0, $0xb8;
	[tilespmem:$0x10100] =	vst v63  }
0x92: {  	_ = 	snop  }
0x93: {  	[tilespmem:s10], [sflag:$0x1] =	stream.indirect_vreg.gather [hbm4b:s1+s3], $0x80, v3, vm0, $0xb8;
	[tilespmem:$0x10100] =	vst v63  }
0x94: {  	v3 =	vld [tilespmem:$0xC0];
	_ =	sdelay $0x4  }
0x95: {  	v44 =	vshll.u32 v3, $0x1  }
0x96: {  	v3 =	vand.u32 $0x7, v3;
	v4 =	vand.u32 $0xFFFFFFF0, v44  }
0x97: {  	v3 =	vor.u32 v3, v4  }
0x98: {  	v4 =	vperm.xlane v3, v0;
	_ =	sdelay $0x1  }
0x99: {  	v3 =	vperm.xlane v3, v2;
	v4 =	vadd.s32 v1, v4;
	_ =	sdelay $0x1  }
0x9a: {  	v3 =	vadd.s32 v1, v3;
	_ =	sdelay $0x2  }
0x9b: {  	[tilespmem:s11], [sflag:$0x1] =	stream.indirect_vreg.gather [hbm4b:s1+s3], $0x80, v4, vm0, $0xb8;
	[tilespmem:$0x10100] =	vst v63  }
0x9c: {  	_ = 	snop  }
0x9d: {  	[tilespmem:s6], [sflag:$0x1] =	stream.indirect_vreg.gather [hbm4b:s1+s3], $0x80, v3, vm0, $0xb8;
	[tilespmem:$0x10100] =	vst v63  }
0x9e: {  	v3 =	vld [tilespmem:$0xD0];
	_ =	sdelay $0x4  }
0x9f: {  	v45 =	vshll.u32 v3, $0x1  }
0xa0: {  	v3 =	vand.u32 $0x7, v3;
	v4 =	vand.u32 $0xFFFFFFF0, v45  }
0xa1: {  	v3 =	vor.u32 v3, v4  }
0xa2: {  	v4 =	vperm.xlane v3, v0;
	_ =	sdelay $0x1  }
0xa3: {  	v3 =	vperm.xlane v3, v2;
	v4 =	vadd.s32 v1, v4;
	_ =	sdelay $0x1  }
0xa4: {  	v3 =	vadd.s32 v1, v3;
	_ =	sdelay $0x1  }
0xa5: {  	s13 =	simm.s32 $0xD100  }
0xa6: {  	[tilespmem:s13], [sflag:$0x1] =	stream.indirect_vreg.gather [hbm4b:s1+s3], $0x80, v4, vm0, $0xb8;
	[tilespmem:$0x10100] =	vst v63  }
0xa7: {  	s13 =	simm.s32 $0xD900  }
0xa8: {  	[tilespmem:s13], [sflag:$0x1] =	stream.indirect_vreg.gather [hbm4b:s1+s3], $0x80, v3, vm0, $0xb8;
	[tilespmem:$0x10100] =	vst v63  }
0xa9: {  	v3 =	vld [tilespmem:$0xE0];
	_ =	sdelay $0x4  }
0xaa: {  	v46 =	vshll.u32 v3, $0x1  }
0xab: {  	v3 =	vand.u32 $0x7, v3;
	v4 =	vand.u32 $0xFFFFFFF0, v46  }
0xac: {  	v3 =	vor.u32 v3, v4  }
0xad: {  	v4 =	vperm.xlane v3, v0;
	_ =	sdelay $0x1  }
0xae: {  	v3 =	vperm.xlane v3, v2;
	v4 =	vadd.s32 v1, v4;
	_ =	sdelay $0x1  }
0xaf: {  	v3 =	vadd.s32 v1, v3;
	_ =	sdelay $0x1  }
0xb0: {  	s13 =	simm.s32 $0xE100  }
0xb1: {  	[tilespmem:s13], [sflag:$0x1] =	stream.indirect_vreg.gather [hbm4b:s1+s3], $0x80, v4, vm0, $0xb8;
	[tilespmem:$0x10100] =	vst v63  }
0xb2: {  	s13 =	simm.s32 $0xE900  }
0xb3: {  	[tilespmem:s13], [sflag:$0x1] =	stream.indirect_vreg.gather [hbm4b:s1+s3], $0x80, v3, vm0, $0xb8;
	[tilespmem:$0x10100] =	vst v63  }
0xb4: {  	v3 =	vld [tilespmem:$0xF0];
	_ =	sdelay $0x4  }
0xb5: {  	v47 =	vshll.u32 v3, $0x1  }
0xb6: {  	v3 =	vand.u32 $0x7, v3;
	v4 =	vand.u32 $0xFFFFFFF0, v47  }
0xb7: {  	v3 =	vor.u32 v3, v4  }
0xb8: {  	v4 =	vperm.xlane v3, v0;
	_ =	sdelay $0x1  }
0xb9: {  	v3 =	vperm.xlane v3, v2;
	v4 =	vadd.s32 v1, v4;
	_ =	sdelay $0x1  }
0xba: {  	v3 =	vadd.s32 v1, v3;
	_ =	sdelay $0x1  }
0xbb: {  	s13 =	simm.s32 $0xF100  }
0xbc: {  	[tilespmem:s13], [sflag:$0x1] =	stream.indirect_vreg.gather [hbm4b:s1+s3], $0x80, v4, vm0, $0xb8;
	[tilespmem:$0x10100] =	vst v63  }
0xbd: {  	s13 =	simm.s32 $0xF900  }
0xbe: {  	[tilespmem:s13], [sflag:$0x1] =	stream.indirect_vreg.gather [hbm4b:s1+s3], $0x80, v3, vm0, $0xb8;
	[tilespmem:$0x10100] =	vst v63  }
0xbf: {  	_ =	swait.ge [sflag:s12], $0x10000  }
0xc0: {  	[sflag:s12] =	ssyncset.done $0x0  }
0xc1: {  	s0 =	simm.s32 $0x100;
	s13 =	rddreg [dreg:$0x4];
	[sflag:s12] =	ssyncadd.s32 $0xFFFF0000  }
0xc2: {  	[hbm4b:s13+s3] =	stream.linear.scatter [tilespmem:s0], [sflag:$0x2], $0x10000, $0x38;
	[tilespmem:$0x10100] =	vst v63  }
0xc3: {  	_ =	swait.ge [sflag:s5], $0x10000  }
0xc4: {  	[sflag:s5] =	ssyncset.done $0x0  }
0xc5: {  	s13 =	rddreg [dreg:$0x5];
	[sflag:s5] =	ssyncadd.s32 $0xFFFF0000  }
0xc6: {  	[tilespmem:s3], [sflag:$0x2] =	stream.linear.gather [hbm4b:s13+s3], $0x100, $0x38;
	[tilespmem:$0x10100] =	vst v63  }
0xc7: {  	_ =	swait.ge [sflag:s5], $0x100  }
0xc8: {  	[sflag:s5] =	ssyncset.done $0x0  }
0xc9: {  	[sflag:s5] =	ssyncadd.s32 $0xFFFFFF00  }
0xca: {  	v3 =	vld [tilespmem:$0x0];
	_ =	sdelay $0x4  }
0xcb: {  	v48 =	vshll.u32 v3, $0x1  }
0xcc: {  	v3 =	vand.u32 $0x7, v3;
	v4 =	vand.u32 $0xFFFFFFF0, v48  }
0xcd: {  	v3 =	vor.u32 v3, v4  }
0xce: {  	v4 =	vperm.xlane v3, v0;
	_ =	sdelay $0x1  }
0xcf: {  	v3 =	vperm.xlane v3, v2;
	v4 =	vadd.s32 v1, v4;
	_ =	sdelay $0x1  }
0xd0: {  	v3 =	vadd.s32 v1, v3;
	_ =	sdelay $0x2  }
0xd1: {  	[tilespmem:s0], [sflag:$0x1] =	stream.indirect_vreg.gather [hbm4b:s1+s3], $0x80, v4, vm0, $0xb8;
	[tilespmem:$0x10100] =	vst v63  }
0xd2: {  	_ = 	snop  }
0xd3: {  	[tilespmem:s14], [sflag:$0x1] =	stream.indirect_vreg.gather [hbm4b:s1+s3], $0x80, v3, vm0, $0xb8;
	[tilespmem:$0x10100] =	vst v63  }
0xd4: {  	v3 =	vld [tilespmem:$0x10];
	_ =	sdelay $0x4  }
0xd5: {  	v49 =	vshll.u32 v3, $0x1  }
0xd6: {  	v3 =	vand.u32 $0x7, v3;
	v4 =	vand.u32 $0xFFFFFFF0, v49  }
0xd7: {  	v3 =	vor.u32 v3, v4  }
0xd8: {  	v4 =	vperm.xlane v3, v0;
	_ =	sdelay $0x1  }
0xd9: {  	v3 =	vperm.xlane v3, v2;
	v4 =	vadd.s32 v1, v4;
	_ =	sdelay $0x1  }
0xda: {  	v3 =	vadd.s32 v1, v3;
	_ =	sdelay $0x2  }
0xdb: {  	[tilespmem:s15], [sflag:$0x1] =	stream.indirect_vreg.gather [hbm4b:s1+s3], $0x80, v4, vm0, $0xb8;
	[tilespmem:$0x10100] =	vst v63  }
0xdc: {  	_ = 	snop  }
0xdd: {  	[tilespmem:s16], [sflag:$0x1] =	stream.indirect_vreg.gather [hbm4b:s1+s3], $0x80, v3, vm0, $0xb8;
	[tilespmem:$0x10100] =	vst v63  }
0xde: {  	v3 =	vld [tilespmem:$0x20];
	_ =	sdelay $0x4  }
0xdf: {  	v50 =	vshll.u32 v3, $0x1  }
0xe0: {  	v3 =	vand.u32 $0x7, v3;
	v4 =	vand.u32 $0xFFFFFFF0, v50  }
0xe1: {  	v3 =	vor.u32 v3, v4  }
0xe2: {  	v4 =	vperm.xlane v3, v0;
	_ =	sdelay $0x1  }
0xe3: {  	v3 =	vperm.xlane v3, v2;
	v4 =	vadd.s32 v1, v4;
	_ =	sdelay $0x1  }
0xe4: {  	v3 =	vadd.s32 v1, v3;
	_ =	sdelay $0x2  }
0xe5: {  	[tilespmem:s17], [sflag:$0x1] =	stream.indirect_vreg.gather [hbm4b:s1+s3], $0x80, v4, vm0, $0xb8;
	[tilespmem:$0x10100] =	vst v63  }
0xe6: {  	_ = 	snop  }
0xe7: {  	[tilespmem:s18], [sflag:$0x1] =	stream.indirect_vreg.gather [hbm4b:s1+s3], $0x80, v3, vm0, $0xb8;
	[tilespmem:$0x10100] =	vst v63  }
0xe8: {  	v3 =	vld [tilespmem:$0x30];
	_ =	sdelay $0x4  }
0xe9: {  	v51 =	vshll.u32 v3, $0x1  }
0xea: {  	v3 =	vand.u32 $0x7, v3;
	v4 =	vand.u32 $0xFFFFFFF0, v51  }
0xeb: {  	v3 =	vor.u32 v3, v4  }
0xec: {  	v4 =	vperm.xlane v3, v0;
	_ =	sdelay $0x1  }
0xed: {  	v3 =	vperm.xlane v3, v2;
	v4 =	vadd.s32 v1, v4;
	_ =	sdelay $0x1  }
0xee: {  	v3 =	vadd.s32 v1, v3;
	_ =	sdelay $0x2  }
0xef: {  	[tilespmem:s19], [sflag:$0x1] =	stream.indirect_vreg.gather [hbm4b:s1+s3], $0x80, v4, vm0, $0xb8;
	[tilespmem:$0x10100] =	vst v63  }
0xf0: {  	_ = 	snop  }
0xf1: {  	[tilespmem:s20], [sflag:$0x1] =	stream.indirect_vreg.gather [hbm4b:s1+s3], $0x80, v3, vm0, $0xb8;
	[tilespmem:$0x10100] =	vst v63  }
0xf2: {  	v3 =	vld [tilespmem:$0x40];
	_ =	sdelay $0x4  }
0xf3: {  	v52 =	vshll.u32 v3, $0x1  }
0xf4: {  	v3 =	vand.u32 $0x7, v3;
	v4 =	vand.u32 $0xFFFFFFF0, v52  }
0xf5: {  	v3 =	vor.u32 v3, v4  }
0xf6: {  	v4 =	vperm.xlane v3, v0;
	_ =	sdelay $0x1  }
0xf7: {  	v3 =	vperm.xlane v3, v2;
	v4 =	vadd.s32 v1, v4;
	_ =	sdelay $0x1  }
0xf8: {  	v3 =	vadd.s32 v1, v3;
	_ =	sdelay $0x2  }
0xf9: {  	[tilespmem:s21], [sflag:$0x1] =	stream.indirect_vreg.gather [hbm4b:s1+s3], $0x80, v4, vm0, $0xb8;
	[tilespmem:$0x10100] =	vst v63  }
0xfa: {  	_ = 	snop  }
0xfb: {  	[tilespmem:s22], [sflag:$0x1] =	stream.indirect_vreg.gather [hbm4b:s1+s3], $0x80, v3, vm0, $0xb8;
	[tilespmem:$0x10100] =	vst v63  }
0xfc: {  	v3 =	vld [tilespmem:$0x50];
	_ =	sdelay $0x4  }
0xfd: {  	v53 =	vshll.u32 v3, $0x1  }
0xfe: {  	v3 =	vand.u32 $0x7, v3;
	v4 =	vand.u32 $0xFFFFFFF0, v53  }
0xff: {  	v3 =	vor.u32 v3, v4  }
0x100: {  	v4 =	vperm.xlane v3, v0;
	_ =	sdelay $0x1  }
0x101: {  	v3 =	vperm.xlane v3, v2;
	v4 =	vadd.s32 v1, v4;
	_ =	sdelay $0x1  }
0x102: {  	v3 =	vadd.s32 v1, v3;
	_ =	sdelay $0x2  }
0x103: {  	[tilespmem:s23], [sflag:$0x1] =	stream.indirect_vreg.gather [hbm4b:s1+s3], $0x80, v4, vm0, $0xb8;
	[tilespmem:$0x10100] =	vst v63  }
0x104: {  	_ = 	snop  }
0x105: {  	[tilespmem:s24], [sflag:$0x1] =	stream.indirect_vreg.gather [hbm4b:s1+s3], $0x80, v3, vm0, $0xb8;
	[tilespmem:$0x10100] =	vst v63  }
0x106: {  	v3 =	vld [tilespmem:$0x60];
	_ =	sdelay $0x4  }
0x107: {  	v54 =	vshll.u32 v3, $0x1  }
0x108: {  	v3 =	vand.u32 $0x7, v3;
	v4 =	vand.u32 $0xFFFFFFF0, v54  }
0x109: {  	v3 =	vor.u32 v3, v4  }
0x10a: {  	v4 =	vperm.xlane v3, v0;
	_ =	sdelay $0x1  }
0x10b: {  	v3 =	vperm.xlane v3, v2;
	v4 =	vadd.s32 v1, v4;
	_ =	sdelay $0x1  }
0x10c: {  	v3 =	vadd.s32 v1, v3;
	_ =	sdelay $0x2  }
0x10d: {  	[tilespmem:s25], [sflag:$0x1] =	stream.indirect_vreg.gather [hbm4b:s1+s3], $0x80, v4, vm0, $0xb8;
	[tilespmem:$0x10100] =	vst v63  }
0x10e: {  	_ = 	snop  }
0x10f: {  	[tilespmem:s26], [sflag:$0x1] =	stream.indirect_vreg.gather [hbm4b:s1+s3], $0x80, v3, vm0, $0xb8;
	[tilespmem:$0x10100] =	vst v63  }
0x110: {  	v3 =	vld [tilespmem:$0x70];
	_ =	sdelay $0x4  }
0x111: {  	v55 =	vshll.u32 v3, $0x1  }
0x112: {  	v3 =	vand.u32 $0x7, v3;
	v4 =	vand.u32 $0xFFFFFFF0, v55  }
0x113: {  	v3 =	vor.u32 v3, v4  }
0x114: {  	v4 =	vperm.xlane v3, v0;
	_ =	sdelay $0x1  }
0x115: {  	v3 =	vperm.xlane v3, v2;
	v4 =	vadd.s32 v1, v4;
	_ =	sdelay $0x1  }
0x116: {  	v3 =	vadd.s32 v1, v3;
	_ =	sdelay $0x2  }
0x117: {  	[tilespmem:s28], [sflag:$0x1] =	stream.indirect_vreg.gather [hbm4b:s1+s3], $0x80, v4, vm0, $0xb8;
	[tilespmem:$0x10100] =	vst v63  }
0x118: {  	_ = 	snop  }
0x119: {  	[tilespmem:s29], [sflag:$0x1] =	stream.indirect_vreg.gather [hbm4b:s1+s3], $0x80, v3, vm0, $0xb8;
	[tilespmem:$0x10100] =	vst v63  }
0x11a: {  	v3 =	vld [tilespmem:$0x80];
	_ =	sdelay $0x4  }
0x11b: {  	v56 =	vshll.u32 v3, $0x1  }
0x11c: {  	v3 =	vand.u32 $0x7, v3;
	v4 =	vand.u32 $0xFFFFFFF0, v56  }
0x11d: {  	v3 =	vor.u32 v3, v4  }
0x11e: {  	v4 =	vperm.xlane v3, v0;
	_ =	sdelay $0x1  }
0x11f: {  	v3 =	vperm.xlane v3, v2;
	v4 =	vadd.s32 v1, v4;
	_ =	sdelay $0x1  }
0x120: {  	v3 =	vadd.s32 v1, v3;
	_ =	sdelay $0x2  }
0x121: {  	[tilespmem:s30], [sflag:$0x1] =	stream.indirect_vreg.gather [hbm4b:s1+s3], $0x80, v4, vm0, $0xb8;
	[tilespmem:$0x10100] =	vst v63  }
0x122: {  	_ = 	snop  }
0x123: {  	[tilespmem:s31], [sflag:$0x1] =	stream.indirect_vreg.gather [hbm4b:s1+s3], $0x80, v3, vm0, $0xb8;
	[tilespmem:$0x10100] =	vst v63  }
0x124: {  	v3 =	vld [tilespmem:$0x90];
	_ =	sdelay $0x4  }
0x125: {  	v57 =	vshll.u32 v3, $0x1  }
0x126: {  	v3 =	vand.u32 $0x7, v3;
	v4 =	vand.u32 $0xFFFFFFF0, v57  }
0x127: {  	v3 =	vor.u32 v3, v4  }
0x128: {  	v4 =	vperm.xlane v3, v0;
	_ =	sdelay $0x1  }
0x129: {  	v3 =	vperm.xlane v3, v2;
	v4 =	vadd.s32 v1, v4;
	_ =	sdelay $0x1  }
0x12a: {  	v3 =	vadd.s32 v1, v3;
	_ =	sdelay $0x1  }
0x12b: {  	s13 =	simm.s32 $0x9100  }
0x12c: {  	[tilespmem:s13], [sflag:$0x1] =	stream.indirect_vreg.gather [hbm4b:s1+s3], $0x80, v4, vm0, $0xb8;
	[tilespmem:$0x10100] =	vst v63  }
0x12d: {  	_ = 	snop  }
0x12e: {  	[tilespmem:s2], [sflag:$0x1] =	stream.indirect_vreg.gather [hbm4b:s1+s3], $0x80, v3, vm0, $0xb8;
	[tilespmem:$0x10100] =	vst v63  }
0x12f: {  	v3 =	vld [tilespmem:$0xA0];
	_ =	sdelay $0x4  }
0x130: {  	v58 =	vshll.u32 v3, $0x1  }
0x131: {  	v3 =	vand.u32 $0x7, v3;
	v4 =	vand.u32 $0xFFFFFFF0, v58  }
0x132: {  	v3 =	vor.u32 v3, v4  }
0x133: {  	v4 =	vperm.xlane v3, v0;
	_ =	sdelay $0x1  }
0x134: {  	v3 =	vperm.xlane v3, v2;
	v4 =	vadd.s32 v1, v4;
	_ =	sdelay $0x1  }
0x135: {  	v3 =	vadd.s32 v1, v3;
	_ =	sdelay $0x2  }
0x136: {  	[tilespmem:s7], [sflag:$0x1] =	stream.indirect_vreg.gather [hbm4b:s1+s3], $0x80, v4, vm0, $0xb8;
	[tilespmem:$0x10100] =	vst v63  }
0x137: {  	_ = 	snop  }
0x138: {  	[tilespmem:s8], [sflag:$0x1] =	stream.indirect_vreg.gather [hbm4b:s1+s3], $0x80, v3, vm0, $0xb8;
	[tilespmem:$0x10100] =	vst v63  }
0x139: {  	v3 =	vld [tilespmem:$0xB0];
	_ =	sdelay $0x4  }
0x13a: {  	v59 =	vshll.u32 v3, $0x1  }
0x13b: {  	v3 =	vand.u32 $0x7, v3;
	v4 =	vand.u32 $0xFFFFFFF0, v59  }
0x13c: {  	v3 =	vor.u32 v3, v4  }
0x13d: {  	v4 =	vperm.xlane v3, v0;
	_ =	sdelay $0x1  }
0x13e: {  	v3 =	vperm.xlane v3, v2;
	v4 =	vadd.s32 v1, v4;
	_ =	sdelay $0x1  }
0x13f: {  	v3 =	vadd.s32 v1, v3;
	_ =	sdelay $0x2  }
0x140: {  	[tilespmem:s9], [sflag:$0x1] =	stream.indirect_vreg.gather [hbm4b:s1+s3], $0x80, v4, vm0, $0xb8;
	[tilespmem:$0x10100] =	vst v63  }
0x141: {  	_ = 	snop  }
0x142: {  	[tilespmem:s10], [sflag:$0x1] =	stream.indirect_vreg.gather [hbm4b:s1+s3], $0x80, v3, vm0, $0xb8;
	[tilespmem:$0x10100] =	vst v63  }
0x143: {  	v3 =	vld [tilespmem:$0xC0];
	_ =	sdelay $0x4  }
0x144: {  	v60 =	vshll.u32 v3, $0x1  }
0x145: {  	v3 =	vand.u32 $0x7, v3;
	v4 =	vand.u32 $0xFFFFFFF0, v60  }
0x146: {  	v3 =	vor.u32 v3, v4  }
0x147: {  	v4 =	vperm.xlane v3, v0;
	_ =	sdelay $0x1  }
0x148: {  	v3 =	vperm.xlane v3, v2;
	v4 =	vadd.s32 v1, v4;
	_ =	sdelay $0x1  }
0x149: {  	v3 =	vadd.s32 v1, v3;
	_ =	sdelay $0x2  }
0x14a: {  	[tilespmem:s11], [sflag:$0x1] =	stream.indirect_vreg.gather [hbm4b:s1+s3], $0x80, v4, vm0, $0xb8;
	[tilespmem:$0x10100] =	vst v63  }
0x14b: {  	_ = 	snop  }
0x14c: {  	[tilespmem:s6], [sflag:$0x1] =	stream.indirect_vreg.gather [hbm4b:s1+s3], $0x80, v3, vm0, $0xb8;
	[tilespmem:$0x10100] =	vst v63  }
0x14d: {  	v3 =	vld [tilespmem:$0xD0];
	_ =	sdelay $0x4  }
0x14e: {  	v61 =	vshll.u32 v3, $0x1  }
0x14f: {  	v3 =	vand.u32 $0x7, v3;
	v4 =	vand.u32 $0xFFFFFFF0, v61  }
0x150: {  	v3 =	vor.u32 v3, v4  }
0x151: {  	v4 =	vperm.xlane v3, v0;
	_ =	sdelay $0x1  }
0x152: {  	v3 =	vperm.xlane v3, v2;
	v4 =	vadd.s32 v1, v4;
	_ =	sdelay $0x1  }
0x153: {  	v3 =	vadd.s32 v1, v3;
	_ =	sdelay $0x1  }
0x154: {  	s13 =	simm.s32 $0xD100  }
0x155: {  	[tilespmem:s13], [sflag:$0x1] =	stream.indirect_vreg.gather [hbm4b:s1+s3], $0x80, v4, vm0, $0xb8;
	[tilespmem:$0x10100] =	vst v63  }
0x156: {  	s13 =	simm.s32 $0xD900  }
0x157: {  	[tilespmem:s13], [sflag:$0x1] =	stream.indirect_vreg.gather [hbm4b:s1+s3], $0x80, v3, vm0, $0xb8;
	[tilespmem:$0x10100] =	vst v63  }
0x158: {  	v3 =	vld [tilespmem:$0xE0];
	_ =	sdelay $0x4  }
0x159: {  	v62 =	vshll.u32 v3, $0x1  }
0x15a: {  	v3 =	vand.u32 $0x7, v3;
	v4 =	vand.u32 $0xFFFFFFF0, v62  }
0x15b: {  	v3 =	vor.u32 v3, v4  }
0x15c: {  	v4 =	vperm.xlane v3, v0;
	_ =	sdelay $0x1  }
0x15d: {  	v3 =	vperm.xlane v3, v2;
	v4 =	vadd.s32 v1, v4;
	_ =	sdelay $0x1  }
0x15e: {  	v3 =	vadd.s32 v1, v3;
	_ =	sdelay $0x1  }
0x15f: {  	s13 =	simm.s32 $0xE100  }
0x160: {  	[tilespmem:s13], [sflag:$0x1] =	stream.indirect_vreg.gather [hbm4b:s1+s3], $0x80, v4, vm0, $0xb8;
	[tilespmem:$0x10100] =	vst v63  }
0x161: {  	s13 =	simm.s32 $0xE900  }
0x162: {  	[tilespmem:s13], [sflag:$0x1] =	stream.indirect_vreg.gather [hbm4b:s1+s3], $0x80, v3, vm0, $0xb8;
	[tilespmem:$0x10100] =	vst v63  }
0x163: {  	v3 =	vld [tilespmem:$0xF0];
	_ =	sdelay $0x4  }
0x164: {  	v63 =	vshll.u32 v3, $0x1  }
0x165: {  	v3 =	vand.u32 $0x7, v3;
	v4 =	vand.u32 $0xFFFFFFF0, v63  }
0x166: {  	v3 =	vor.u32 v3, v4  }
0x167: {  	v4 =	vperm.xlane v3, v0;
	_ =	sdelay $0x1  }
0x168: {  	v3 =	vperm.xlane v3, v2;
	v4 =	vadd.s32 v1, v4;
	_ =	sdelay $0x1  }
0x169: {  	v3 =	vadd.s32 v1, v3;
	_ =	sdelay $0x1  }
0x16a: {  	s13 =	simm.s32 $0xF100  }
0x16b: {  	[tilespmem:s13], [sflag:$0x1] =	stream.indirect_vreg.gather [hbm4b:s1+s3], $0x80, v4, vm0, $0xb8;
	[tilespmem:$0x10100] =	vst v63  }
0x16c: {  	s13 =	simm.s32 $0xF900  }
0x16d: {  	[tilespmem:s13], [sflag:$0x1] =	stream.indirect_vreg.gather [hbm4b:s1+s3], $0x80, v3, vm0, $0xb8;
	[tilespmem:$0x10100] =	vst v63  }
0x16e: {  	_ =	swait.ge [sflag:s12], $0x10000  }
0x16f: {  	p0 =	sne.s32 s4, $0x1;
	s0 =	simm.s32 $0x100;
	[sflag:s12] =	ssyncset.done $0x0  }
.Ltmp0:
0x170: {  	s13 =	rddreg [dreg:$0x6];
	[sflag:s12] =	ssyncadd.s32 $0xFFFF0000;
	(pc) =	sbr.rel @p0 .LBB2_1-.Ltmp0, $4  }
0x171: {  	[hbm4b:s13+s3] =	stream.linear.scatter [tilespmem:s0], [sflag:$0x2], $0x10000, $0x38;
	[tilespmem:$0x10100] =	vst v63  }
0x172: {  	_ =	swait.ge [sflag:s5], $0x10000  }
0x173: {  	[sflag:s5] =	ssyncset.done $0x0  }
0x174: {  	s4 =	sadd.s32 $0xFFFFFFFF, s4;
	[sflag:s5] =	ssyncadd.s32 $0xFFFF0000  }
0x175: {  	_ =	sfence.sel $0x180000  }
0x176: {  	[bflag:$0x0] =	sbarrier.arrive $0xFFFF  }
0x177: {  	_ =	strace $0x90000047  }
0x178: {  	s0 =	stileid.u32;
	[bflag:$0x2] =	sbarrier.arrive $0xFFFF  }
0x179: {  	p0 =	sne.s32 s0, $0x0;
	s0 =	rddreg [dreg:$0x2]  }
0x17a: {  	s0 =	sadd.s32 @!p0 $0x100000, s0  }
0x17b: {  	[sflag:s0] =	ssyncadd.tile.s32 @!p0 $0x1;
	_ =	shalt  }
.Lfunc_end2:
_tile_overlayer_lowered:
.L_overlay_start_2:
0x17c: {  	(tag) =	ssettag $0x2  }
0x17d: {  	s0 =	rddreg [dreg:$0x0];
	s2 =	stileid.u32  }
0x17e: {  	s1 =	rddreg [dreg:$0x1];
	p0 =	sne.s32 s2, $0x0  }
0x17f: {  	s3 =	rddreg [dreg:$0x2];
	[bflag:$0x3] =	sbarrier.arrive $0xFFFF;
	s2 =	simm.s32 @!p0 $0x1C02  }
0x180: {  	[timem:s3], [sflag:s2] =	dma.local @!p0 [hbm:s0], s1  }
0x181: {  	s0 =	simm.s32 @!p0 $0x2  }
0x182: {  	_ =	swait.ge @!p0 [sflag:s0], s1  }
0x183: {  	s1 =	ssub.s32 @!p0 $0x0, s1;
	[sflag:s0] =	ssyncset.done @!p0 $0x0  }
0x184: {  	[sflag:s0] =	ssyncadd.s32 @!p0 s1  }
0x185: {  	[bflag:$0x3] =	sbarrier.arrive $0xFFFF  }
0x186: {  	_ =	shalt  }

</sc_bundles>
